<compile_context>
chip_gen: v7x
topology: tpu7x:2x2x1
jax: 0.10.2.dev20260603
libtpu: 0.0.44.dev20260713+nightly
codegen_flags: <defaults>
</compile_context>

<pallas_src>
import functools

import jax
import jax.numpy as jnp
from jax import lax
from jax.experimental import pallas as pl
from jax.experimental.pallas import tpu as pltpu
from jax.experimental.pallas import tpu_sc as plsc

_B = 4096
_IN_DIM = 512
_OUT_DIM = 256
_E = 8192
_S_SIZE = _IN_DIM * _OUT_DIM

_NC = 2
_NS = 16
_HALF = _S_SIZE // _NC
_ACC = _HALF + 16
_EPT = _E // _NS
_ZCH = _HALF // _NS
_LANES = 16
_NSEG = _EPT // 128


def _sc_scatter_body(cols_hbm, rows_hbm, w_hbm, out_hbm,
                     acc, cols_v, rows_v, idx_segs, w_segs, zbuf,
                     sem_in, sem_z, sem_sc):
    c = lax.axis_index("c")
    s = lax.axis_index("s")
    base = s * _EPT

    cp_in = [
        pltpu.async_copy(cols_hbm.at[pl.ds(base, _EPT)], cols_v, sem_in),
        pltpu.async_copy(rows_hbm.at[pl.ds(base, _EPT)], rows_v, sem_in),
    ]
    for j in range(_NSEG):
        cp_in.append(pltpu.async_copy(
            w_hbm.at[pl.ds(base + j * 128, 128)], w_segs.at[j], sem_in))

    zvec = jnp.zeros((_LANES,), jnp.float32)
    _ZUNROLL = 16

    def _zbody(i, _):
        for u in range(_ZUNROLL):
            zbuf[pl.ds((i * _ZUNROLL + u) * _LANES, _LANES)] = zvec
        return 0

    lax.fori_loop(0, _ZCH // (_LANES * _ZUNROLL), _zbody, 0)
    zsl = pl.ds(s * _ZCH, _ZCH)
    cp_z = pltpu.async_copy(zbuf, acc.at[zsl], sem_z)

    for cp in cp_in:
        cp.wait()

    for j in range(_NSEG):
        for i in range(128 // _LANES):
            sl = pl.ds(j * 128 + i * _LANES, _LANES)
            row = rows_v[sl]
            p = ((row >> 7) - c) * _HALF + cols_v[sl] * 128 + (row & 127)
            inr = (p >= 0) & (p < _HALF)
            idx_segs[j, pl.ds(i * _LANES, _LANES)] = jnp.where(inr, p, _HALF)

    cp_z.wait()
    plsc.subcore_barrier()
    cp_sc = [
        pltpu.async_copy(w_segs.at[j], acc.at[idx_segs.at[j]], sem_sc,
                         add=True)
        for j in range(_NSEG)
    ]
    for cp in cp_sc:
        cp.wait()
    plsc.subcore_barrier()

    pltpu.sync_copy(acc.at[zsl], out_hbm.at[pl.ds(c * _HALF + s * _ZCH, _ZCH)])


@functools.cache
def _sc_scatter():
    return pl.kernel(
        _sc_scatter_body,
        out_type=jax.ShapeDtypeStruct((_S_SIZE,), jnp.float32),
        mesh=plsc.VectorSubcoreMesh(core_axis_name="c", subcore_axis_name="s"),
        scratch_types=[
            pltpu.VMEM_SHARED((_ACC,), jnp.float32),
            pltpu.VMEM((_EPT,), jnp.int32),
            pltpu.VMEM((_EPT,), jnp.int32),
            pltpu.VMEM((_NSEG, 128), jnp.int32),
            pltpu.VMEM((_NSEG, 128), jnp.float32),
            pltpu.VMEM((_ZCH,), jnp.float32),
            pltpu.SemaphoreType.DMA,
            pltpu.SemaphoreType.DMA,
            pltpu.SemaphoreType.DMA,
        ],
    )


_BLK = 1024
_HOUT = _OUT_DIM // 2


def _tc_body(x_ref, a_ref, act_ref, o_ref):
    xb = x_ref[...]
    left = a_ref[0:_IN_DIM, :]
    right = a_ref[_IN_DIM:2 * _IN_DIM, :]
    pre_l = jnp.dot(xb, left, preferred_element_type=jnp.float32)
    pre_r = jnp.dot(xb, right, preferred_element_type=jnp.float32)
    al = act_ref[:, 0:_HOUT]
    ar = act_ref[:, _HOUT:_OUT_DIM]
    yl = jnp.where(al == 1, jnp.tanh(pre_l), pre_l)
    yr = jnp.where(ar == 1, jnp.tanh(pre_r), pre_r)
    o_ref[:, 0:_HOUT] = jax.nn.sigmoid(yl)
    o_ref[:, _HOUT:_OUT_DIM] = jax.nn.sigmoid(yr)


@jax.jit
def kernel(x, W, conn_rows, conn_cols, act_diag):
    cols = conn_cols.astype(jnp.int32)
    rows = conn_rows.astype(jnp.int32)
    w32 = W.astype(jnp.float32)

    s_flat = _sc_scatter()(cols, rows, w32)
    amat = s_flat.reshape(2 * _IN_DIM, _HOUT)
    act2 = act_diag.reshape(1, _OUT_DIM)

    return pl.pallas_call(
        _tc_body,
        grid=(_B // _BLK,),
        in_specs=[
            pl.BlockSpec((_BLK, _IN_DIM), lambda i: (i, 0)),
            pl.BlockSpec((2 * _IN_DIM, _HOUT), lambda i: (0, 0)),
            pl.BlockSpec((1, _OUT_DIM), lambda i: (0, 0)),
        ],
        out_specs=pl.BlockSpec((_BLK, _OUT_DIM), lambda i: (i, 0)),
        out_shape=jax.ShapeDtypeStruct((_B, _OUT_DIM), jnp.float32),
    )(x, amat, act2)

# --- scband reference (transcript-rebuilt; emitter-appended) ---
"""Pipeline reference for scband-sparse-node-model-57595511439648 (READ-ONLY COPY).

The authoritative reference and input builder live on the scoring server;
editing this copy changes nothing except your own understanding.
"""

import jax, jax.numpy as jnp
import numpy as np

B = 4096
IN_DIM = 512
OUT_DIM = 256
E = 8192  # connection_count
CONSTANT_WEIGHT = 1.0


def setup_inputs(seed: int = 0) -> dict:
    key = jax.random.key(seed)
    k1, k2, k3, k4 = jax.random.split(key, 4)
    x = jax.random.normal(k1, (B, IN_DIM), dtype=jnp.float32)
    # each Linear(1,1,bias=False) is a scalar weight initialized to constant_weight
    W = jnp.ones((E,), dtype=jnp.float32) * CONSTANT_WEIGHT
    # nonzero entries of mat, enumerated row-by-row (sorted rows) as in the torch loop
    conn_rows = jnp.sort(jax.random.randint(k2, (E,), 0, OUT_DIM)).astype(jnp.int32)
    conn_cols = jax.random.randint(k3, (E,), 0, IN_DIM).astype(jnp.int64)
    # mat[j, j] selects which activation from `activations` is applied per output node
    act_diag = jax.random.randint(k4, (OUT_DIM,), 0, 2).astype(jnp.int32)
    return {"x": x, "W": W, "conn_rows": conn_rows, "conn_cols": conn_cols, "act_diag": act_diag}


def reference(x, W, conn_rows, conn_cols, act_diag):
    # For each connection k: node_activation applies linears[k] to x[:, conn_cols[k]]
    gathered = jnp.take(x, conn_cols, axis=1)          # [B, E] gather
    contrib = gathered * W[None, :]                    # per-connection scalar Linear
    # sum all incoming connections per output node (the repeated `input_node + new_node`)
    pre = jax.ops.segment_sum(contrib.T, conn_rows, num_segments=OUT_DIM).T  # [B, OUT_DIM]
    # activations[mat[j, j]] per output node: 0 -> identity, 1 -> tanh
    activated = jnp.where(act_diag[None, :] == 1, jnp.tanh(pre), pre)
    # concat_output applies activation_list to the concatenated outputs (sigmoid)
    outputs = jax.nn.sigmoid(activated)
    return outputs

if __name__ == "__main__":
    import jax
    _d = setup_inputs()
    print(jax.jit(kernel)(*tuple(_d.values())))

</pallas_src>

<mosaic_0001>
#map = affine_map<(d0, d1) -> (0)>
module attributes {stable_mosaic.version = 14 : i64} {
  func.func @_sc_scatter_body(%arg0: i32, %arg1: i32, %arg2: memref<8192xi32, #tpu.memory_space<hbm>>, %arg3: memref<8192xi32, #tpu.memory_space<hbm>>, %arg4: memref<8192xf32, #tpu.memory_space<hbm>>, %arg5: memref<131072xf32, #tpu.memory_space<hbm>>, %arg6: memref<65552xf32, #tpu.memory_space<vmem_shared>>, %arg7: memref<512xi32, #tpu.memory_space<vmem>>, %arg8: memref<512xi32, #tpu.memory_space<vmem>>, %arg9: memref<4x128xi32, #tpu.memory_space<vmem>>, %arg10: memref<4x128xf32, #tpu.memory_space<vmem>>, %arg11: memref<4096xf32, #tpu.memory_space<vmem>>, %arg12: memref<!tpu.dma_semaphore, #tpu.memory_space<semaphore_mem>>, %arg13: memref<!tpu.dma_semaphore, #tpu.memory_space<semaphore_mem>>, %arg14: memref<!tpu.dma_semaphore, #tpu.memory_space<semaphore_mem>>) attributes {dimension_semantics = [#tpu.dimension_semantics<core_parallel>, #tpu.dimension_semantics<subcore_parallel>], iteration_bounds = array<i64: 2, 16>, scalar_prefetch = 0 : i64, scratch_operands = 9 : i64, tpu.core_type = #tpu.core_type<sc_vector_subcore>, window_params = [{transform_indices = #map}, {transform_indices = #map}, {transform_indices = #map}, {transform_indices = #map}]} {
    %mul3A = arith.constant 512 : i32
    %mul3A_0 = arith.muli %arg1, %mul3A : i32
    %dma_start3A = tpu.memref_slice %arg2[%mul3A_0] : memref<8192xi32, #tpu.memory_space<hbm>> -> memref<512xi32, #tpu.memory_space<hbm>>
    %dma_start3A_1 = tpu.memref_slice %arg2[%mul3A_0] : memref<8192xi32, #tpu.memory_space<hbm>> -> memref<512xi32, #tpu.memory_space<hbm>>
    tpu.enqueue_dma source(%dma_start3A_1 : memref<512xi32, #tpu.memory_space<hbm>>) target(%arg7 : memref<512xi32, #tpu.memory_space<vmem>>) target_semaphore(%arg12 : memref<!tpu.dma_semaphore, #tpu.memory_space<semaphore_mem>>)
    %dma_start3A_2 = tpu.memref_slice %arg3[%mul3A_0] : memref<8192xi32, #tpu.memory_space<hbm>> -> memref<512xi32, #tpu.memory_space<hbm>>
    %dma_start3A_3 = tpu.memref_slice %arg3[%mul3A_0] : memref<8192xi32, #tpu.memory_space<hbm>> -> memref<512xi32, #tpu.memory_space<hbm>>
    tpu.enqueue_dma source(%dma_start3A_3 : memref<512xi32, #tpu.memory_space<hbm>>) target(%arg8 : memref<512xi32, #tpu.memory_space<vmem>>) target_semaphore(%arg12 : memref<!tpu.dma_semaphore, #tpu.memory_space<semaphore_mem>>)
    %add3A = arith.constant 0 : i32
    %add3A_4 = arith.addi %mul3A_0, %add3A : i32
    %dma_start3A_5 = arith.constant 0 : i32
    %dma_start3A_6 = arith.constant 0 : i32
    %dma_start3A_7 = tpu.memref_slice %arg10[%dma_start3A_5, %dma_start3A_6] : memref<4x128xf32, #tpu.memory_space<vmem>> -> memref<1x128xf32, #tpu.memory_space<vmem>>
    %dma_start3A_8 = tpu.memref_squeeze %dma_start3A_7 : memref<1x128xf32, #tpu.memory_space<vmem>> -> memref<128xf32, #tpu.memory_space<vmem>>
    %dma_start3A_9 = tpu.memref_slice %arg4[%add3A_4] : memref<8192xf32, #tpu.memory_space<hbm>> -> memref<128xf32, #tpu.memory_space<hbm>>
    %dma_start3A_10 = arith.constant 0 : i32
    %dma_start3A_11 = tpu.memref_slice %arg10[%dma_start3A_5, %dma_start3A_10] : memref<4x128xf32, #tpu.memory_space<vmem>> -> memref<1x128xf32, #tpu.memory_space<vmem>>
    %dma_start3A_12 = tpu.memref_squeeze %dma_start3A_11 : memref<1x128xf32, #tpu.memory_space<vmem>> -> memref<128xf32, #tpu.memory_space<vmem>>
    %dma_start3A_13 = tpu.memref_slice %arg4[%add3A_4] : memref<8192xf32, #tpu.memory_space<hbm>> -> memref<128xf32, #tpu.memory_space<hbm>>
    tpu.enqueue_dma source(%dma_start3A_13 : memref<128xf32, #tpu.memory_space<hbm>>) target(%dma_start3A_12 : memref<128xf32, #tpu.memory_space<vmem>>) target_semaphore(%arg12 : memref<!tpu.dma_semaphore, #tpu.memory_space<semaphore_mem>>)
    %add3A_14 = arith.constant 128 : i32
    %add3A_15 = arith.addi %mul3A_0, %add3A_14 : i32
    %dma_start3A_16 = arith.constant 1 : i32
    %dma_start3A_17 = arith.constant 0 : i32
    %dma_start3A_18 = tpu.memref_slice %arg10[%dma_start3A_16, %dma_start3A_17] : memref<4x128xf32, #tpu.memory_space<vmem>> -> memref<1x128xf32, #tpu.memory_space<vmem>>
    %dma_start3A_19 = tpu.memref_squeeze %dma_start3A_18 : memref<1x128xf32, #tpu.memory_space<vmem>> -> memref<128xf32, #tpu.memory_space<vmem>>
    %dma_start3A_20 = tpu.memref_slice %arg4[%add3A_15] : memref<8192xf32, #tpu.memory_space<hbm>> -> memref<128xf32, #tpu.memory_space<hbm>>
    %dma_start3A_21 = arith.constant 0 : i32
    %dma_start3A_22 = tpu.memref_slice %arg10[%dma_start3A_16, %dma_start3A_21] : memref<4x128xf32, #tpu.memory_space<vmem>> -> memref<1x128xf32, #tpu.memory_space<vmem>>
    %dma_start3A_23 = tpu.memref_squeeze %dma_start3A_22 : memref<1x128xf32, #tpu.memory_space<vmem>> -> memref<128xf32, #tpu.memory_space<vmem>>
    %dma_start3A_24 = tpu.memref_slice %arg4[%add3A_15] : memref<8192xf32, #tpu.memory_space<hbm>> -> memref<128xf32, #tpu.memory_space<hbm>>
    tpu.enqueue_dma source(%dma_start3A_24 : memref<128xf32, #tpu.memory_space<hbm>>) target(%dma_start3A_23 : memref<128xf32, #tpu.memory_space<vmem>>) target_semaphore(%arg12 : memref<!tpu.dma_semaphore, #tpu.memory_space<semaphore_mem>>)
    %add3A_25 = arith.constant 256 : i32
    %add3A_26 = arith.addi %mul3A_0, %add3A_25 : i32
    %dma_start3A_27 = arith.constant 2 : i32
    %dma_start3A_28 = arith.constant 0 : i32
    %dma_start3A_29 = tpu.memref_slice %arg10[%dma_start3A_27, %dma_start3A_28] : memref<4x128xf32, #tpu.memory_space<vmem>> -> memref<1x128xf32, #tpu.memory_space<vmem>>
    %dma_start3A_30 = tpu.memref_squeeze %dma_start3A_29 : memref<1x128xf32, #tpu.memory_space<vmem>> -> memref<128xf32, #tpu.memory_space<vmem>>
    %dma_start3A_31 = tpu.memref_slice %arg4[%add3A_26] : memref<8192xf32, #tpu.memory_space<hbm>> -> memref<128xf32, #tpu.memory_space<hbm>>
    %dma_start3A_32 = arith.constant 0 : i32
    %dma_start3A_33 = tpu.memref_slice %arg10[%dma_start3A_27, %dma_start3A_32] : memref<4x128xf32, #tpu.memory_space<vmem>> -> memref<1x128xf32, #tpu.memory_space<vmem>>
    %dma_start3A_34 = tpu.memref_squeeze %dma_start3A_33 : memref<1x128xf32, #tpu.memory_space<vmem>> -> memref<128xf32, #tpu.memory_space<vmem>>
    %dma_start3A_35 = tpu.memref_slice %arg4[%add3A_26] : memref<8192xf32, #tpu.memory_space<hbm>> -> memref<128xf32, #tpu.memory_space<hbm>>
    tpu.enqueue_dma source(%dma_start3A_35 : memref<128xf32, #tpu.memory_space<hbm>>) target(%dma_start3A_34 : memref<128xf32, #tpu.memory_space<vmem>>) target_semaphore(%arg12 : memref<!tpu.dma_semaphore, #tpu.memory_space<semaphore_mem>>)
    %add3A_36 = arith.constant 384 : i32
    %add3A_37 = arith.addi %mul3A_0, %add3A_36 : i32
    %dma_start3A_38 = arith.constant 3 : i32
    %dma_start3A_39 = arith.constant 0 : i32
    %dma_start3A_40 = tpu.memref_slice %arg10[%dma_start3A_38, %dma_start3A_39] : memref<4x128xf32, #tpu.memory_space<vmem>> -> memref<1x128xf32, #tpu.memory_space<vmem>>
    %dma_start3A_41 = tpu.memref_squeeze %dma_start3A_40 : memref<1x128xf32, #tpu.memory_space<vmem>> -> memref<128xf32, #tpu.memory_space<vmem>>
    %dma_start3A_42 = tpu.memref_slice %arg4[%add3A_37] : memref<8192xf32, #tpu.memory_space<hbm>> -> memref<128xf32, #tpu.memory_space<hbm>>
    %dma_start3A_43 = arith.constant 0 : i32
    %dma_start3A_44 = tpu.memref_slice %arg10[%dma_start3A_38, %dma_start3A_43] : memref<4x128xf32, #tpu.memory_space<vmem>> -> memref<1x128xf32, #tpu.memory_space<vmem>>
    %dma_start3A_45 = tpu.memref_squeeze %dma_start3A_44 : memref<1x128xf32, #tpu.memory_space<vmem>> -> memref<128xf32, #tpu.memory_space<vmem>>
    %dma_start3A_46 = tpu.memref_slice %arg4[%add3A_37] : memref<8192xf32, #tpu.memory_space<hbm>> -> memref<128xf32, #tpu.memory_space<hbm>>
    tpu.enqueue_dma source(%dma_start3A_46 : memref<128xf32, #tpu.memory_space<hbm>>) target(%dma_start3A_45 : memref<128xf32, #tpu.memory_space<vmem>>) target_semaphore(%arg12 : memref<!tpu.dma_semaphore, #tpu.memory_space<semaphore_mem>>)
    %broadcast_in_dim3A = arith.constant 0.000000e+00 : f32
    %broadcast_in_dim3A_47 = vector.broadcast %broadcast_in_dim3A : f32 to vector<16xf32>
    %scan3A = arith.constant 0 : i32
    %scan3A_48 = arith.constant 0 : i32
    %scan3A_49 = arith.constant 16 : i32
    %scan3A_50 = arith.addi %scan3A_48, %scan3A_49 : i32
    %scan3A_51 = arith.constant 1 : i32
    %scan3A_52 = scf.for %scan3A_1392 = %scan3A_48 to %scan3A_50 step %scan3A_51 iter_args(%scan3A_1393 = %scan3A) -> (i32)  : i32 {
      %mul3A_1394 = arith.constant 16 : i32
      %mul3A_1395 = arith.muli %scan3A_1392, %mul3A_1394 : i32
      %add3A_1396 = arith.constant 0 : i32
      %add3A_1397 = arith.addi %mul3A_1395, %add3A_1396 : i32
      %mul3A_1398 = arith.constant 16 : i32
      %mul3A_1399 = arith.muli %add3A_1397, %mul3A_1398 : i32
      %swap3A_1400 = arith.index_cast %mul3A_1399 : i32 to index
      %swap3A_1401 = tpu.vector_load %arg11[%swap3A_1400] {strides = array<i32>} : memref<4096xf32, #tpu.memory_space<vmem>>, vector<16xf32>,
      %swap3A_1402 = vector.shape_cast %swap3A_1401 : vector<16xf32> to vector<16xf32>
      %swap3A_1403 = vector.shape_cast %broadcast_in_dim3A_47 : vector<16xf32> to vector<16xf32>
      tpu.vector_store %arg11[%swap3A_1400], %swap3A_1403 {strides = array<i32>} : memref<4096xf32, #tpu.memory_space<vmem>>, vector<16xf32>,
      %mul3A_1404 = arith.constant 16 : i32
      %mul3A_1405 = arith.muli %scan3A_1392, %mul3A_1404 : i32
      %add3A_1406 = arith.constant 1 : i32
      %add3A_1407 = arith.addi %mul3A_1405, %add3A_1406 : i32
      %mul3A_1408 = arith.constant 16 : i32
      %mul3A_1409 = arith.muli %add3A_1407, %mul3A_1408 : i32
      %swap3A_1410 = arith.index_cast %mul3A_1409 : i32 to index
      %swap3A_1411 = tpu.vector_load %arg11[%swap3A_1410] {strides = array<i32>} : memref<4096xf32, #tpu.memory_space<vmem>>, vector<16xf32>,
      %swap3A_1412 = vector.shape_cast %swap3A_1411 : vector<16xf32> to vector<16xf32>
      %swap3A_1413 = vector.shape_cast %broadcast_in_dim3A_47 : vector<16xf32> to vector<16xf32>
      tpu.vector_store %arg11[%swap3A_1410], %swap3A_1413 {strides = array<i32>} : memref<4096xf32, #tpu.memory_space<vmem>>, vector<16xf32>,
      %mul3A_1414 = arith.constant 16 : i32
      %mul3A_1415 = arith.muli %scan3A_1392, %mul3A_1414 : i32
      %add3A_1416 = arith.constant 2 : i32
      %add3A_1417 = arith.addi %mul3A_1415, %add3A_1416 : i32
      %mul3A_1418 = arith.constant 16 : i32
      %mul3A_1419 = arith.muli %add3A_1417, %mul3A_1418 : i32
      %swap3A_1420 = arith.index_cast %mul3A_1419 : i32 to index
      %swap3A_1421 = tpu.vector_load %arg11[%swap3A_1420] {strides = array<i32>} : memref<4096xf32, #tpu.memory_space<vmem>>, vector<16xf32>,
      %swap3A_1422 = vector.shape_cast %swap3A_1421 : vector<16xf32> to vector<16xf32>
      %swap3A_1423 = vector.shape_cast %broadcast_in_dim3A_47 : vector<16xf32> to vector<16xf32>
      tpu.vector_store %arg11[%swap3A_1420], %swap3A_1423 {strides = array<i32>} : memref<4096xf32, #tpu.memory_space<vmem>>, vector<16xf32>,
      %mul3A_1424 = arith.constant 16 : i32
      %mul3A_1425 = arith.muli %scan3A_1392, %mul3A_1424 : i32
      %add3A_1426 = arith.constant 3 : i32
      %add3A_1427 = arith.addi %mul3A_1425, %add3A_1426 : i32
      %mul3A_1428 = arith.constant 16 : i32
      %mul3A_1429 = arith.muli %add3A_1427, %mul3A_1428 : i32
      %swap3A_1430 = arith.index_cast %mul3A_1429 : i32 to index
      %swap3A_1431 = tpu.vector_load %arg11[%swap3A_1430] {strides = array<i32>} : memref<4096xf32, #tpu.memory_space<vmem>>, vector<16xf32>,
      %swap3A_1432 = vector.shape_cast %swap3A_1431 : vector<16xf32> to vector<16xf32>
      %swap3A_1433 = vector.shape_cast %broadcast_in_dim3A_47 : vector<16xf32> to vector<16xf32>
      tpu.vector_store %arg11[%swap3A_1430], %swap3A_1433 {strides = array<i32>} : memref<4096xf32, #tpu.memory_space<vmem>>, vector<16xf32>,
      %mul3A_1434 = arith.constant 16 : i32
      %mul3A_1435 = arith.muli %scan3A_1392, %mul3A_1434 : i32
      %add3A_1436 = arith.constant 4 : i32
      %add3A_1437 = arith.addi %mul3A_1435, %add3A_1436 : i32
      %mul3A_1438 = arith.constant 16 : i32
      %mul3A_1439 = arith.muli %add3A_1437, %mul3A_1438 : i32
      %swap3A_1440 = arith.index_cast %mul3A_1439 : i32 to index
      %swap3A_1441 = tpu.vector_load %arg11[%swap3A_1440] {strides = array<i32>} : memref<4096xf32, #tpu.memory_space<vmem>>, vector<16xf32>,
      %swap3A_1442 = vector.shape_cast %swap3A_1441 : vector<16xf32> to vector<16xf32>
      %swap3A_1443 = vector.shape_cast %broadcast_in_dim3A_47 : vector<16xf32> to vector<16xf32>
      tpu.vector_store %arg11[%swap3A_1440], %swap3A_1443 {strides = array<i32>} : memref<4096xf32, #tpu.memory_space<vmem>>, vector<16xf32>,
      %mul3A_1444 = arith.constant 16 : i32
      %mul3A_1445 = arith.muli %scan3A_1392, %mul3A_1444 : i32
      %add3A_1446 = arith.constant 5 : i32
      %add3A_1447 = arith.addi %mul3A_1445, %add3A_1446 : i32
      %mul3A_1448 = arith.constant 16 : i32
      %mul3A_1449 = arith.muli %add3A_1447, %mul3A_1448 : i32
      %swap3A_1450 = arith.index_cast %mul3A_1449 : i32 to index
      %swap3A_1451 = tpu.vector_load %arg11[%swap3A_1450] {strides = array<i32>} : memref<4096xf32, #tpu.memory_space<vmem>>, vector<16xf32>,
      %swap3A_1452 = vector.shape_cast %swap3A_1451 : vector<16xf32> to vector<16xf32>
      %swap3A_1453 = vector.shape_cast %broadcast_in_dim3A_47 : vector<16xf32> to vector<16xf32>
      tpu.vector_store %arg11[%swap3A_1450], %swap3A_1453 {strides = array<i32>} : memref<4096xf32, #tpu.memory_space<vmem>>, vector<16xf32>,
      %mul3A_1454 = arith.constant 16 : i32
      %mul3A_1455 = arith.muli %scan3A_1392, %mul3A_1454 : i32
      %add3A_1456 = arith.constant 6 : i32
      %add3A_1457 = arith.addi %mul3A_1455, %add3A_1456 : i32
      %mul3A_1458 = arith.constant 16 : i32
      %mul3A_1459 = arith.muli %add3A_1457, %mul3A_1458 : i32
      %swap3A_1460 = arith.index_cast %mul3A_1459 : i32 to index
      %swap3A_1461 = tpu.vector_load %arg11[%swap3A_1460] {strides = array<i32>} : memref<4096xf32, #tpu.memory_space<vmem>>, vector<16xf32>,
      %swap3A_1462 = vector.shape_cast %swap3A_1461 : vector<16xf32> to vector<16xf32>
      %swap3A_1463 = vector.shape_cast %broadcast_in_dim3A_47 : vector<16xf32> to vector<16xf32>
      tpu.vector_store %arg11[%swap3A_1460], %swap3A_1463 {strides = array<i32>} : memref<4096xf32, #tpu.memory_space<vmem>>, vector<16xf32>,
      %mul3A_1464 = arith.constant 16 : i32
      %mul3A_1465 = arith.muli %scan3A_1392, %mul3A_1464 : i32
      %add3A_1466 = arith.constant 7 : i32
      %add3A_1467 = arith.addi %mul3A_1465, %add3A_1466 : i32
      %mul3A_1468 = arith.constant 16 : i32
      %mul3A_1469 = arith.muli %add3A_1467, %mul3A_1468 : i32
      %swap3A_1470 = arith.index_cast %mul3A_1469 : i32 to index
      %swap3A_1471 = tpu.vector_load %arg11[%swap3A_1470] {strides = array<i32>} : memref<4096xf32, #tpu.memory_space<vmem>>, vector<16xf32>,
      %swap3A_1472 = vector.shape_cast %swap3A_1471 : vector<16xf32> to vector<16xf32>
      %swap3A_1473 = vector.shape_cast %broadcast_in_dim3A_47 : vector<16xf32> to vector<16xf32>
      tpu.vector_store %arg11[%swap3A_1470], %swap3A_1473 {strides = array<i32>} : memref<4096xf32, #tpu.memory_space<vmem>>, vector<16xf32>,
      %mul3A_1474 = arith.constant 16 : i32
      %mul3A_1475 = arith.muli %scan3A_1392, %mul3A_1474 : i32
      %add3A_1476 = arith.constant 8 : i32
      %add3A_1477 = arith.addi %mul3A_1475, %add3A_1476 : i32
      %mul3A_1478 = arith.constant 16 : i32
      %mul3A_1479 = arith.muli %add3A_1477, %mul3A_1478 : i32
      %swap3A_1480 = arith.index_cast %mul3A_1479 : i32 to index
      %swap3A_1481 = tpu.vector_load %arg11[%swap3A_1480] {strides = array<i32>} : memref<4096xf32, #tpu.memory_space<vmem>>, vector<16xf32>,
      %swap3A_1482 = vector.shape_cast %swap3A_1481 : vector<16xf32> to vector<16xf32>
      %swap3A_1483 = vector.shape_cast %broadcast_in_dim3A_47 : vector<16xf32> to vector<16xf32>
      tpu.vector_store %arg11[%swap3A_1480], %swap3A_1483 {strides = array<i32>} : memref<4096xf32, #tpu.memory_space<vmem>>, vector<16xf32>,
      %mul3A_1484 = arith.constant 16 : i32
      %mul3A_1485 = arith.muli %scan3A_1392, %mul3A_1484 : i32
      %add3A_1486 = arith.constant 9 : i32
      %add3A_1487 = arith.addi %mul3A_1485, %add3A_1486 : i32
      %mul3A_1488 = arith.constant 16 : i32
      %mul3A_1489 = arith.muli %add3A_1487, %mul3A_1488 : i32
      %swap3A_1490 = arith.index_cast %mul3A_1489 : i32 to index
      %swap3A_1491 = tpu.vector_load %arg11[%swap3A_1490] {strides = array<i32>} : memref<4096xf32, #tpu.memory_space<vmem>>, vector<16xf32>,
      %swap3A_1492 = vector.shape_cast %swap3A_1491 : vector<16xf32> to vector<16xf32>
      %swap3A_1493 = vector.shape_cast %broadcast_in_dim3A_47 : vector<16xf32> to vector<16xf32>
      tpu.vector_store %arg11[%swap3A_1490], %swap3A_1493 {strides = array<i32>} : memref<4096xf32, #tpu.memory_space<vmem>>, vector<16xf32>,
      %mul3A_1494 = arith.constant 16 : i32
      %mul3A_1495 = arith.muli %scan3A_1392, %mul3A_1494 : i32
      %add3A_1496 = arith.constant 10 : i32
      %add3A_1497 = arith.addi %mul3A_1495, %add3A_1496 : i32
      %mul3A_1498 = arith.constant 16 : i32
      %mul3A_1499 = arith.muli %add3A_1497, %mul3A_1498 : i32
      %swap3A_1500 = arith.index_cast %mul3A_1499 : i32 to index
      %swap3A_1501 = tpu.vector_load %arg11[%swap3A_1500] {strides = array<i32>} : memref<4096xf32, #tpu.memory_space<vmem>>, vector<16xf32>,
      %swap3A_1502 = vector.shape_cast %swap3A_1501 : vector<16xf32> to vector<16xf32>
      %swap3A_1503 = vector.shape_cast %broadcast_in_dim3A_47 : vector<16xf32> to vector<16xf32>
      tpu.vector_store %arg11[%swap3A_1500], %swap3A_1503 {strides = array<i32>} : memref<4096xf32, #tpu.memory_space<vmem>>, vector<16xf32>,
      %mul3A_1504 = arith.constant 16 : i32
      %mul3A_1505 = arith.muli %scan3A_1392, %mul3A_1504 : i32
      %add3A_1506 = arith.constant 11 : i32
      %add3A_1507 = arith.addi %mul3A_1505, %add3A_1506 : i32
      %mul3A_1508 = arith.constant 16 : i32
      %mul3A_1509 = arith.muli %add3A_1507, %mul3A_1508 : i32
      %swap3A_1510 = arith.index_cast %mul3A_1509 : i32 to index
      %swap3A_1511 = tpu.vector_load %arg11[%swap3A_1510] {strides = array<i32>} : memref<4096xf32, #tpu.memory_space<vmem>>, vector<16xf32>,
      %swap3A_1512 = vector.shape_cast %swap3A_1511 : vector<16xf32> to vector<16xf32>
      %swap3A_1513 = vector.shape_cast %broadcast_in_dim3A_47 : vector<16xf32> to vector<16xf32>
      tpu.vector_store %arg11[%swap3A_1510], %swap3A_1513 {strides = array<i32>} : memref<4096xf32, #tpu.memory_space<vmem>>, vector<16xf32>,
      %mul3A_1514 = arith.constant 16 : i32
      %mul3A_1515 = arith.muli %scan3A_1392, %mul3A_1514 : i32
      %add3A_1516 = arith.constant 12 : i32
      %add3A_1517 = arith.addi %mul3A_1515, %add3A_1516 : i32
      %mul3A_1518 = arith.constant 16 : i32
      %mul3A_1519 = arith.muli %add3A_1517, %mul3A_1518 : i32
      %swap3A_1520 = arith.index_cast %mul3A_1519 : i32 to index
      %swap3A_1521 = tpu.vector_load %arg11[%swap3A_1520] {strides = array<i32>} : memref<4096xf32, #tpu.memory_space<vmem>>, vector<16xf32>,
      %swap3A_1522 = vector.shape_cast %swap3A_1521 : vector<16xf32> to vector<16xf32>
      %swap3A_1523 = vector.shape_cast %broadcast_in_dim3A_47 : vector<16xf32> to vector<16xf32>
      tpu.vector_store %arg11[%swap3A_1520], %swap3A_1523 {strides = array<i32>} : memref<4096xf32, #tpu.memory_space<vmem>>, vector<16xf32>,
      %mul3A_1524 = arith.constant 16 : i32
      %mul3A_1525 = arith.muli %scan3A_1392, %mul3A_1524 : i32
      %add3A_1526 = arith.constant 13 : i32
      %add3A_1527 = arith.addi %mul3A_1525, %add3A_1526 : i32
      %mul3A_1528 = arith.constant 16 : i32
      %mul3A_1529 = arith.muli %add3A_1527, %mul3A_1528 : i32
      %swap3A_1530 = arith.index_cast %mul3A_1529 : i32 to index
      %swap3A_1531 = tpu.vector_load %arg11[%swap3A_1530] {strides = array<i32>} : memref<4096xf32, #tpu.memory_space<vmem>>, vector<16xf32>,
      %swap3A_1532 = vector.shape_cast %swap3A_1531 : vector<16xf32> to vector<16xf32>
      %swap3A_1533 = vector.shape_cast %broadcast_in_dim3A_47 : vector<16xf32> to vector<16xf32>
      tpu.vector_store %arg11[%swap3A_1530], %swap3A_1533 {strides = array<i32>} : memref<4096xf32, #tpu.memory_space<vmem>>, vector<16xf32>,
      %mul3A_1534 = arith.constant 16 : i32
      %mul3A_1535 = arith.muli %scan3A_1392, %mul3A_1534 : i32
      %add3A_1536 = arith.constant 14 : i32
      %add3A_1537 = arith.addi %mul3A_1535, %add3A_1536 : i32
      %mul3A_1538 = arith.constant 16 : i32
      %mul3A_1539 = arith.muli %add3A_1537, %mul3A_1538 : i32
      %swap3A_1540 = arith.index_cast %mul3A_1539 : i32 to index
      %swap3A_1541 = tpu.vector_load %arg11[%swap3A_1540] {strides = array<i32>} : memref<4096xf32, #tpu.memory_space<vmem>>, vector<16xf32>,
      %swap3A_1542 = vector.shape_cast %swap3A_1541 : vector<16xf32> to vector<16xf32>
      %swap3A_1543 = vector.shape_cast %broadcast_in_dim3A_47 : vector<16xf32> to vector<16xf32>
      tpu.vector_store %arg11[%swap3A_1540], %swap3A_1543 {strides = array<i32>} : memref<4096xf32, #tpu.memory_space<vmem>>, vector<16xf32>,
      %mul3A_1544 = arith.constant 16 : i32
      %mul3A_1545 = arith.muli %scan3A_1392, %mul3A_1544 : i32
      %add3A_1546 = arith.constant 15 : i32
      %add3A_1547 = arith.addi %mul3A_1545, %add3A_1546 : i32
      %mul3A_1548 = arith.constant 16 : i32
      %mul3A_1549 = arith.muli %add3A_1547, %mul3A_1548 : i32
      %swap3A_1550 = arith.index_cast %mul3A_1549 : i32 to index
      %swap3A_1551 = tpu.vector_load %arg11[%swap3A_1550] {strides = array<i32>} : memref<4096xf32, #tpu.memory_space<vmem>>, vector<16xf32>,
      %swap3A_1552 = vector.shape_cast %swap3A_1551 : vector<16xf32> to vector<16xf32>
      %swap3A_1553 = vector.shape_cast %broadcast_in_dim3A_47 : vector<16xf32> to vector<16xf32>
      tpu.vector_store %arg11[%swap3A_1550], %swap3A_1553 {strides = array<i32>} : memref<4096xf32, #tpu.memory_space<vmem>>, vector<16xf32>,
      %scan3A_1554 = arith.constant 0 : i32
      scf.yield %scan3A_1554 : i32
    }
    %scan3A_53 = arith.constant 16 : i32
    %mul3A_54 = arith.constant 4096 : i32
    %mul3A_55 = arith.muli %arg1, %mul3A_54 : i32
    %dma_start3A_56 = tpu.memref_slice %arg6[%mul3A_55] : memref<65552xf32, #tpu.memory_space<vmem_shared>> -> memref<4096xf32, #tpu.memory_space<vmem_shared>>
    %dma_start3A_57 = tpu.memref_slice %arg6[%mul3A_55] : memref<65552xf32, #tpu.memory_space<vmem_shared>> -> memref<4096xf32, #tpu.memory_space<vmem_shared>>
    tpu.enqueue_dma source(%arg11 : memref<4096xf32, #tpu.memory_space<vmem>>) target(%dma_start3A_57 : memref<4096xf32, #tpu.memory_space<vmem_shared>>) target_semaphore(%arg13 : memref<!tpu.dma_semaphore, #tpu.memory_space<semaphore_mem>>)
    %dma_wait3A = tpu.memref_slice %arg2[%mul3A_0] : memref<8192xi32, #tpu.memory_space<hbm>> -> memref<512xi32, #tpu.memory_space<hbm>>
    %dma_wait3A_58 = tpu.memref_slice %arg2[%mul3A_0] : memref<8192xi32, #tpu.memory_space<hbm>> -> memref<512xi32, #tpu.memory_space<hbm>>
    tpu.wait_dma2 semaphore(%arg12 : memref<!tpu.dma_semaphore, #tpu.memory_space<semaphore_mem>>) src(%dma_wait3A_58 : memref<512xi32, #tpu.memory_space<hbm>>) dst(%arg7 : memref<512xi32, #tpu.memory_space<vmem>>)
    %dma_wait3A_59 = tpu.memref_slice %arg3[%mul3A_0] : memref<8192xi32, #tpu.memory_space<hbm>> -> memref<512xi32, #tpu.memory_space<hbm>>
    %dma_wait3A_60 = tpu.memref_slice %arg3[%mul3A_0] : memref<8192xi32, #tpu.memory_space<hbm>> -> memref<512xi32, #tpu.memory_space<hbm>>
    tpu.wait_dma2 semaphore(%arg12 : memref<!tpu.dma_semaphore, #tpu.memory_space<semaphore_mem>>) src(%dma_wait3A_60 : memref<512xi32, #tpu.memory_space<hbm>>) dst(%arg8 : memref<512xi32, #tpu.memory_space<vmem>>)
    %dma_wait3A_61 = arith.constant 0 : i32
    %dma_wait3A_62 = arith.constant 0 : i32
    %dma_wait3A_63 = tpu.memref_slice %arg10[%dma_wait3A_61, %dma_wait3A_62] : memref<4x128xf32, #tpu.memory_space<vmem>> -> memref<1x128xf32, #tpu.memory_space<vmem>>
    %dma_wait3A_64 = tpu.memref_squeeze %dma_wait3A_63 : memref<1x128xf32, #tpu.memory_space<vmem>> -> memref<128xf32, #tpu.memory_space<vmem>>
    %dma_wait3A_65 = tpu.memref_slice %arg4[%add3A_4] : memref<8192xf32, #tpu.memory_space<hbm>> -> memref<128xf32, #tpu.memory_space<hbm>>
    %dma_wait3A_66 = arith.constant 0 : i32
    %dma_wait3A_67 = tpu.memref_slice %arg10[%dma_wait3A_61, %dma_wait3A_66] : memref<4x128xf32, #tpu.memory_space<vmem>> -> memref<1x128xf32, #tpu.memory_space<vmem>>
    %dma_wait3A_68 = tpu.memref_squeeze %dma_wait3A_67 : memref<1x128xf32, #tpu.memory_space<vmem>> -> memref<128xf32, #tpu.memory_space<vmem>>
    %dma_wait3A_69 = tpu.memref_slice %arg4[%add3A_4] : memref<8192xf32, #tpu.memory_space<hbm>> -> memref<128xf32, #tpu.memory_space<hbm>>
    tpu.wait_dma2 semaphore(%arg12 : memref<!tpu.dma_semaphore, #tpu.memory_space<semaphore_mem>>) src(%dma_wait3A_69 : memref<128xf32, #tpu.memory_space<hbm>>) dst(%dma_wait3A_68 : memref<128xf32, #tpu.memory_space<vmem>>)
    %dma_wait3A_70 = arith.constant 1 : i32
    %dma_wait3A_71 = arith.constant 0 : i32
    %dma_wait3A_72 = tpu.memref_slice %arg10[%dma_wait3A_70, %dma_wait3A_71] : memref<4x128xf32, #tpu.memory_space<vmem>> -> memref<1x128xf32, #tpu.memory_space<vmem>>
    %dma_wait3A_73 = tpu.memref_squeeze %dma_wait3A_72 : memref<1x128xf32, #tpu.memory_space<vmem>> -> memref<128xf32, #tpu.memory_space<vmem>>
    %dma_wait3A_74 = tpu.memref_slice %arg4[%add3A_15] : memref<8192xf32, #tpu.memory_space<hbm>> -> memref<128xf32, #tpu.memory_space<hbm>>
    %dma_wait3A_75 = arith.constant 0 : i32
    %dma_wait3A_76 = tpu.memref_slice %arg10[%dma_wait3A_70, %dma_wait3A_75] : memref<4x128xf32, #tpu.memory_space<vmem>> -> memref<1x128xf32, #tpu.memory_space<vmem>>
    %dma_wait3A_77 = tpu.memref_squeeze %dma_wait3A_76 : memref<1x128xf32, #tpu.memory_space<vmem>> -> memref<128xf32, #tpu.memory_space<vmem>>
    %dma_wait3A_78 = tpu.memref_slice %arg4[%add3A_15] : memref<8192xf32, #tpu.memory_space<hbm>> -> memref<128xf32, #tpu.memory_space<hbm>>
    tpu.wait_dma2 semaphore(%arg12 : memref<!tpu.dma_semaphore, #tpu.memory_space<semaphore_mem>>) src(%dma_wait3A_78 : memref<128xf32, #tpu.memory_space<hbm>>) dst(%dma_wait3A_77 : memref<128xf32, #tpu.memory_space<vmem>>)
    %dma_wait3A_79 = arith.constant 2 : i32
    %dma_wait3A_80 = arith.constant 0 : i32
    %dma_wait3A_81 = tpu.memref_slice %arg10[%dma_wait3A_79, %dma_wait3A_80] : memref<4x128xf32, #tpu.memory_space<vmem>> -> memref<1x128xf32, #tpu.memory_space<vmem>>
    %dma_wait3A_82 = tpu.memref_squeeze %dma_wait3A_81 : memref<1x128xf32, #tpu.memory_space<vmem>> -> memref<128xf32, #tpu.memory_space<vmem>>
    %dma_wait3A_83 = tpu.memref_slice %arg4[%add3A_26] : memref<8192xf32, #tpu.memory_space<hbm>> -> memref<128xf32, #tpu.memory_space<hbm>>
    %dma_wait3A_84 = arith.constant 0 : i32
    %dma_wait3A_85 = tpu.memref_slice %arg10[%dma_wait3A_79, %dma_wait3A_84] : memref<4x128xf32, #tpu.memory_space<vmem>> -> memref<1x128xf32, #tpu.memory_space<vmem>>
    %dma_wait3A_86 = tpu.memref_squeeze %dma_wait3A_85 : memref<1x128xf32, #tpu.memory_space<vmem>> -> memref<128xf32, #tpu.memory_space<vmem>>
    %dma_wait3A_87 = tpu.memref_slice %arg4[%add3A_26] : memref<8192xf32, #tpu.memory_space<hbm>> -> memref<128xf32, #tpu.memory_space<hbm>>
    tpu.wait_dma2 semaphore(%arg12 : memref<!tpu.dma_semaphore, #tpu.memory_space<semaphore_mem>>) src(%dma_wait3A_87 : memref<128xf32, #tpu.memory_space<hbm>>) dst(%dma_wait3A_86 : memref<128xf32, #tpu.memory_space<vmem>>)
    %dma_wait3A_88 = arith.constant 3 : i32
    %dma_wait3A_89 = arith.constant 0 : i32
    %dma_wait3A_90 = tpu.memref_slice %arg10[%dma_wait3A_88, %dma_wait3A_89] : memref<4x128xf32, #tpu.memory_space<vmem>> -> memref<1x128xf32, #tpu.memory_space<vmem>>
    %dma_wait3A_91 = tpu.memref_squeeze %dma_wait3A_90 : memref<1x128xf32, #tpu.memory_space<vmem>> -> memref<128xf32, #tpu.memory_space<vmem>>
    %dma_wait3A_92 = tpu.memref_slice %arg4[%add3A_37] : memref<8192xf32, #tpu.memory_space<hbm>> -> memref<128xf32, #tpu.memory_space<hbm>>
    %dma_wait3A_93 = arith.constant 0 : i32
    %dma_wait3A_94 = tpu.memref_slice %arg10[%dma_wait3A_88, %dma_wait3A_93] : memref<4x128xf32, #tpu.memory_space<vmem>> -> memref<1x128xf32, #tpu.memory_space<vmem>>
    %dma_wait3A_95 = tpu.memref_squeeze %dma_wait3A_94 : memref<1x128xf32, #tpu.memory_space<vmem>> -> memref<128xf32, #tpu.memory_space<vmem>>
    %dma_wait3A_96 = tpu.memref_slice %arg4[%add3A_37] : memref<8192xf32, #tpu.memory_space<hbm>> -> memref<128xf32, #tpu.memory_space<hbm>>
    tpu.wait_dma2 semaphore(%arg12 : memref<!tpu.dma_semaphore, #tpu.memory_space<semaphore_mem>>) src(%dma_wait3A_96 : memref<128xf32, #tpu.memory_space<hbm>>) dst(%dma_wait3A_95 : memref<128xf32, #tpu.memory_space<vmem>>)
    %get3A = arith.constant 0 : index
    %get3A_97 = tpu.vector_load %arg8[%get3A] {strides = array<i32>} : memref<512xi32, #tpu.memory_space<vmem>>, vector<16xi32>,
    %get3A_98 = vector.shape_cast %get3A_97 : vector<16xi32> to vector<16xi32>
    %shift_right_arithmetic3A = arith.constant 7 : i32
    %shift_right_arithmetic3A_99 = vector.broadcast %shift_right_arithmetic3A : i32 to vector<16xi32>
    %shift_right_arithmetic3A_100 = arith.shrsi %get3A_98, %shift_right_arithmetic3A_99 : vector<16xi32>
    %sub3A = vector.broadcast %arg0 : i32 to vector<16xi32>
    %sub3A_101 = arith.subi %shift_right_arithmetic3A_100, %sub3A : vector<16xi32>
    %mul3A_102 = arith.constant 65536 : i32
    %mul3A_103 = vector.broadcast %mul3A_102 : i32 to vector<16xi32>
    %mul3A_104 = arith.muli %sub3A_101, %mul3A_103 : vector<16xi32>
    %get3A_105 = arith.constant 0 : index
    %get3A_106 = tpu.vector_load %arg7[%get3A_105] {strides = array<i32>} : memref<512xi32, #tpu.memory_space<vmem>>, vector<16xi32>,
    %get3A_107 = vector.shape_cast %get3A_106 : vector<16xi32> to vector<16xi32>
    %mul3A_108 = arith.constant 128 : i32
    %mul3A_109 = vector.broadcast %mul3A_108 : i32 to vector<16xi32>
    %mul3A_110 = arith.muli %get3A_107, %mul3A_109 : vector<16xi32>
    %add3A_111 = arith.addi %mul3A_104, %mul3A_110 : vector<16xi32>
    %and3A = arith.constant 127 : i32
    %and3A_112 = vector.broadcast %and3A : i32 to vector<16xi32>
    %and3A_113 = arith.andi %get3A_98, %and3A_112 : vector<16xi32>
    %add3A_114 = arith.addi %add3A_111, %and3A_113 : vector<16xi32>
    %ge3A = arith.constant 0 : i32
    %ge3A_115 = vector.broadcast %ge3A : i32 to vector<16xi32>
    %ge3A_116 = arith.cmpi sge, %add3A_114, %ge3A_115 : vector<16xi32>
    %lt3A = arith.constant 65536 : i32
    %lt3A_117 = vector.broadcast %lt3A : i32 to vector<16xi32>
    %lt3A_118 = arith.cmpi slt, %add3A_114, %lt3A_117 : vector<16xi32>
    %and3A_119 = arith.andi %ge3A_116, %lt3A_118 : vector<16xi1>
    %jit3A = arith.constant 65536 : i32
    %broadcast_in_dim3A_120 = vector.broadcast %jit3A : i32 to vector<16xi32>
    %select_n3A = arith.select %and3A_119, %add3A_114, %broadcast_in_dim3A_120 : vector<16xi1>, vector<16xi32>
    %swap3A = arith.constant 0 : i32
    %swap3A_121 = arith.index_cast %swap3A : i32 to index
    %swap3A_122 = arith.constant 0 : index
    %swap3A_123 = tpu.vector_load %arg9[%swap3A_121, %swap3A_122] {strides = array<i32>} : memref<4x128xi32, #tpu.memory_space<vmem>>, vector<1x16xi32>,
    %swap3A_124 = vector.shape_cast %swap3A_123 : vector<1x16xi32> to vector<16xi32>
    %swap3A_125 = vector.shape_cast %select_n3A : vector<16xi32> to vector<1x16xi32>
    tpu.vector_store %arg9[%swap3A_121, %swap3A_122], %swap3A_125 {strides = array<i32>} : memref<4x128xi32, #tpu.memory_space<vmem>>, vector<1x16xi32>,
    %get3A_126 = arith.constant 16 : index
    %get3A_127 = tpu.vector_load %arg8[%get3A_126] {strides = array<i32>} : memref<512xi32, #tpu.memory_space<vmem>>, vector<16xi32>,
    %get3A_128 = vector.shape_cast %get3A_127 : vector<16xi32> to vector<16xi32>
    %shift_right_arithmetic3A_129 = arith.constant 7 : i32
    %shift_right_arithmetic3A_130 = vector.broadcast %shift_right_arithmetic3A_129 : i32 to vector<16xi32>
    %shift_right_arithmetic3A_131 = arith.shrsi %get3A_128, %shift_right_arithmetic3A_130 : vector<16xi32>
    %sub3A_132 = vector.broadcast %arg0 : i32 to vector<16xi32>
    %sub3A_133 = arith.subi %shift_right_arithmetic3A_131, %sub3A_132 : vector<16xi32>
    %mul3A_134 = arith.constant 65536 : i32
    %mul3A_135 = vector.broadcast %mul3A_134 : i32 to vector<16xi32>
    %mul3A_136 = arith.muli %sub3A_133, %mul3A_135 : vector<16xi32>
    %get3A_137 = arith.constant 16 : index
    %get3A_138 = tpu.vector_load %arg7[%get3A_137] {strides = array<i32>} : memref<512xi32, #tpu.memory_space<vmem>>, vector<16xi32>,
    %get3A_139 = vector.shape_cast %get3A_138 : vector<16xi32> to vector<16xi32>
    %mul3A_140 = arith.constant 128 : i32
    %mul3A_141 = vector.broadcast %mul3A_140 : i32 to vector<16xi32>
    %mul3A_142 = arith.muli %get3A_139, %mul3A_141 : vector<16xi32>
    %add3A_143 = arith.addi %mul3A_136, %mul3A_142 : vector<16xi32>
    %and3A_144 = arith.constant 127 : i32
    %and3A_145 = vector.broadcast %and3A_144 : i32 to vector<16xi32>
    %and3A_146 = arith.andi %get3A_128, %and3A_145 : vector<16xi32>
    %add3A_147 = arith.addi %add3A_143, %and3A_146 : vector<16xi32>
    %ge3A_148 = arith.constant 0 : i32
    %ge3A_149 = vector.broadcast %ge3A_148 : i32 to vector<16xi32>
    %ge3A_150 = arith.cmpi sge, %add3A_147, %ge3A_149 : vector<16xi32>
    %lt3A_151 = arith.constant 65536 : i32
    %lt3A_152 = vector.broadcast %lt3A_151 : i32 to vector<16xi32>
    %lt3A_153 = arith.cmpi slt, %add3A_147, %lt3A_152 : vector<16xi32>
    %and3A_154 = arith.andi %ge3A_150, %lt3A_153 : vector<16xi1>
    %jit3A_155 = arith.constant 65536 : i32
    %broadcast_in_dim3A_156 = vector.broadcast %jit3A_155 : i32 to vector<16xi32>
    %select_n3A_157 = arith.select %and3A_154, %add3A_147, %broadcast_in_dim3A_156 : vector<16xi1>, vector<16xi32>
    %swap3A_158 = arith.constant 0 : i32
    %swap3A_159 = arith.index_cast %swap3A_158 : i32 to index
    %swap3A_160 = arith.constant 16 : index
    %swap3A_161 = tpu.vector_load %arg9[%swap3A_159, %swap3A_160] {strides = array<i32>} : memref<4x128xi32, #tpu.memory_space<vmem>>, vector<1x16xi32>,
    %swap3A_162 = vector.shape_cast %swap3A_161 : vector<1x16xi32> to vector<16xi32>
    %swap3A_163 = vector.shape_cast %select_n3A_157 : vector<16xi32> to vector<1x16xi32>
    tpu.vector_store %arg9[%swap3A_159, %swap3A_160], %swap3A_163 {strides = array<i32>} : memref<4x128xi32, #tpu.memory_space<vmem>>, vector<1x16xi32>,
    %get3A_164 = arith.constant 32 : index
    %get3A_165 = tpu.vector_load %arg8[%get3A_164] {strides = array<i32>} : memref<512xi32, #tpu.memory_space<vmem>>, vector<16xi32>,
    %get3A_166 = vector.shape_cast %get3A_165 : vector<16xi32> to vector<16xi32>
    %shift_right_arithmetic3A_167 = arith.constant 7 : i32
    %shift_right_arithmetic3A_168 = vector.broadcast %shift_right_arithmetic3A_167 : i32 to vector<16xi32>
    %shift_right_arithmetic3A_169 = arith.shrsi %get3A_166, %shift_right_arithmetic3A_168 : vector<16xi32>
    %sub3A_170 = vector.broadcast %arg0 : i32 to vector<16xi32>
    %sub3A_171 = arith.subi %shift_right_arithmetic3A_169, %sub3A_170 : vector<16xi32>
    %mul3A_172 = arith.constant 65536 : i32
    %mul3A_173 = vector.broadcast %mul3A_172 : i32 to vector<16xi32>
    %mul3A_174 = arith.muli %sub3A_171, %mul3A_173 : vector<16xi32>
    %get3A_175 = arith.constant 32 : index
    %get3A_176 = tpu.vector_load %arg7[%get3A_175] {strides = array<i32>} : memref<512xi32, #tpu.memory_space<vmem>>, vector<16xi32>,
    %get3A_177 = vector.shape_cast %get3A_176 : vector<16xi32> to vector<16xi32>
    %mul3A_178 = arith.constant 128 : i32
    %mul3A_179 = vector.broadcast %mul3A_178 : i32 to vector<16xi32>
    %mul3A_180 = arith.muli %get3A_177, %mul3A_179 : vector<16xi32>
    %add3A_181 = arith.addi %mul3A_174, %mul3A_180 : vector<16xi32>
    %and3A_182 = arith.constant 127 : i32
    %and3A_183 = vector.broadcast %and3A_182 : i32 to vector<16xi32>
    %and3A_184 = arith.andi %get3A_166, %and3A_183 : vector<16xi32>
    %add3A_185 = arith.addi %add3A_181, %and3A_184 : vector<16xi32>
    %ge3A_186 = arith.constant 0 : i32
    %ge3A_187 = vector.broadcast %ge3A_186 : i32 to vector<16xi32>
    %ge3A_188 = arith.cmpi sge, %add3A_185, %ge3A_187 : vector<16xi32>
    %lt3A_189 = arith.constant 65536 : i32
    %lt3A_190 = vector.broadcast %lt3A_189 : i32 to vector<16xi32>
    %lt3A_191 = arith.cmpi slt, %add3A_185, %lt3A_190 : vector<16xi32>
    %and3A_192 = arith.andi %ge3A_188, %lt3A_191 : vector<16xi1>
    %jit3A_193 = arith.constant 65536 : i32
    %broadcast_in_dim3A_194 = vector.broadcast %jit3A_193 : i32 to vector<16xi32>
    %select_n3A_195 = arith.select %and3A_192, %add3A_185, %broadcast_in_dim3A_194 : vector<16xi1>, vector<16xi32>
    %swap3A_196 = arith.constant 0 : i32
    %swap3A_197 = arith.index_cast %swap3A_196 : i32 to index
    %swap3A_198 = arith.constant 32 : index
    %swap3A_199 = tpu.vector_load %arg9[%swap3A_197, %swap3A_198] {strides = array<i32>} : memref<4x128xi32, #tpu.memory_space<vmem>>, vector<1x16xi32>,
    %swap3A_200 = vector.shape_cast %swap3A_199 : vector<1x16xi32> to vector<16xi32>
    %swap3A_201 = vector.shape_cast %select_n3A_195 : vector<16xi32> to vector<1x16xi32>
    tpu.vector_store %arg9[%swap3A_197, %swap3A_198], %swap3A_201 {strides = array<i32>} : memref<4x128xi32, #tpu.memory_space<vmem>>, vector<1x16xi32>,
    %get3A_202 = arith.constant 48 : index
    %get3A_203 = tpu.vector_load %arg8[%get3A_202] {strides = array<i32>} : memref<512xi32, #tpu.memory_space<vmem>>, vector<16xi32>,
    %get3A_204 = vector.shape_cast %get3A_203 : vector<16xi32> to vector<16xi32>
    %shift_right_arithmetic3A_205 = arith.constant 7 : i32
    %shift_right_arithmetic3A_206 = vector.broadcast %shift_right_arithmetic3A_205 : i32 to vector<16xi32>
    %shift_right_arithmetic3A_207 = arith.shrsi %get3A_204, %shift_right_arithmetic3A_206 : vector<16xi32>
    %sub3A_208 = vector.broadcast %arg0 : i32 to vector<16xi32>
    %sub3A_209 = arith.subi %shift_right_arithmetic3A_207, %sub3A_208 : vector<16xi32>
    %mul3A_210 = arith.constant 65536 : i32
    %mul3A_211 = vector.broadcast %mul3A_210 : i32 to vector<16xi32>
    %mul3A_212 = arith.muli %sub3A_209, %mul3A_211 : vector<16xi32>
    %get3A_213 = arith.constant 48 : index
    %get3A_214 = tpu.vector_load %arg7[%get3A_213] {strides = array<i32>} : memref<512xi32, #tpu.memory_space<vmem>>, vector<16xi32>,
    %get3A_215 = vector.shape_cast %get3A_214 : vector<16xi32> to vector<16xi32>
    %mul3A_216 = arith.constant 128 : i32
    %mul3A_217 = vector.broadcast %mul3A_216 : i32 to vector<16xi32>
    %mul3A_218 = arith.muli %get3A_215, %mul3A_217 : vector<16xi32>
    %add3A_219 = arith.addi %mul3A_212, %mul3A_218 : vector<16xi32>
    %and3A_220 = arith.constant 127 : i32
    %and3A_221 = vector.broadcast %and3A_220 : i32 to vector<16xi32>
    %and3A_222 = arith.andi %get3A_204, %and3A_221 : vector<16xi32>
    %add3A_223 = arith.addi %add3A_219, %and3A_222 : vector<16xi32>
    %ge3A_224 = arith.constant 0 : i32
    %ge3A_225 = vector.broadcast %ge3A_224 : i32 to vector<16xi32>
    %ge3A_226 = arith.cmpi sge, %add3A_223, %ge3A_225 : vector<16xi32>
    %lt3A_227 = arith.constant 65536 : i32
    %lt3A_228 = vector.broadcast %lt3A_227 : i32 to vector<16xi32>
    %lt3A_229 = arith.cmpi slt, %add3A_223, %lt3A_228 : vector<16xi32>
    %and3A_230 = arith.andi %ge3A_226, %lt3A_229 : vector<16xi1>
    %jit3A_231 = arith.constant 65536 : i32
    %broadcast_in_dim3A_232 = vector.broadcast %jit3A_231 : i32 to vector<16xi32>
    %select_n3A_233 = arith.select %and3A_230, %add3A_223, %broadcast_in_dim3A_232 : vector<16xi1>, vector<16xi32>
    %swap3A_234 = arith.constant 0 : i32
    %swap3A_235 = arith.index_cast %swap3A_234 : i32 to index
    %swap3A_236 = arith.constant 48 : index
    %swap3A_237 = tpu.vector_load %arg9[%swap3A_235, %swap3A_236] {strides = array<i32>} : memref<4x128xi32, #tpu.memory_space<vmem>>, vector<1x16xi32>,
    %swap3A_238 = vector.shape_cast %swap3A_237 : vector<1x16xi32> to vector<16xi32>
    %swap3A_239 = vector.shape_cast %select_n3A_233 : vector<16xi32> to vector<1x16xi32>
    tpu.vector_store %arg9[%swap3A_235, %swap3A_236], %swap3A_239 {strides = array<i32>} : memref<4x128xi32, #tpu.memory_space<vmem>>, vector<1x16xi32>,
    %get3A_240 = arith.constant 64 : index
    %get3A_241 = tpu.vector_load %arg8[%get3A_240] {strides = array<i32>} : memref<512xi32, #tpu.memory_space<vmem>>, vector<16xi32>,
    %get3A_242 = vector.shape_cast %get3A_241 : vector<16xi32> to vector<16xi32>
    %shift_right_arithmetic3A_243 = arith.constant 7 : i32
    %shift_right_arithmetic3A_244 = vector.broadcast %shift_right_arithmetic3A_243 : i32 to vector<16xi32>
    %shift_right_arithmetic3A_245 = arith.shrsi %get3A_242, %shift_right_arithmetic3A_244 : vector<16xi32>
    %sub3A_246 = vector.broadcast %arg0 : i32 to vector<16xi32>
    %sub3A_247 = arith.subi %shift_right_arithmetic3A_245, %sub3A_246 : vector<16xi32>
    %mul3A_248 = arith.constant 65536 : i32
    %mul3A_249 = vector.broadcast %mul3A_248 : i32 to vector<16xi32>
    %mul3A_250 = arith.muli %sub3A_247, %mul3A_249 : vector<16xi32>
    %get3A_251 = arith.constant 64 : index
    %get3A_252 = tpu.vector_load %arg7[%get3A_251] {strides = array<i32>} : memref<512xi32, #tpu.memory_space<vmem>>, vector<16xi32>,
    %get3A_253 = vector.shape_cast %get3A_252 : vector<16xi32> to vector<16xi32>
    %mul3A_254 = arith.constant 128 : i32
    %mul3A_255 = vector.broadcast %mul3A_254 : i32 to vector<16xi32>
    %mul3A_256 = arith.muli %get3A_253, %mul3A_255 : vector<16xi32>
    %add3A_257 = arith.addi %mul3A_250, %mul3A_256 : vector<16xi32>
    %and3A_258 = arith.constant 127 : i32
    %and3A_259 = vector.broadcast %and3A_258 : i32 to vector<16xi32>
    %and3A_260 = arith.andi %get3A_242, %and3A_259 : vector<16xi32>
    %add3A_261 = arith.addi %add3A_257, %and3A_260 : vector<16xi32>
    %ge3A_262 = arith.constant 0 : i32
    %ge3A_263 = vector.broadcast %ge3A_262 : i32 to vector<16xi32>
    %ge3A_264 = arith.cmpi sge, %add3A_261, %ge3A_263 : vector<16xi32>
    %lt3A_265 = arith.constant 65536 : i32
    %lt3A_266 = vector.broadcast %lt3A_265 : i32 to vector<16xi32>
    %lt3A_267 = arith.cmpi slt, %add3A_261, %lt3A_266 : vector<16xi32>
    %and3A_268 = arith.andi %ge3A_264, %lt3A_267 : vector<16xi1>
    %jit3A_269 = arith.constant 65536 : i32
    %broadcast_in_dim3A_270 = vector.broadcast %jit3A_269 : i32 to vector<16xi32>
    %select_n3A_271 = arith.select %and3A_268, %add3A_261, %broadcast_in_dim3A_270 : vector<16xi1>, vector<16xi32>
    %swap3A_272 = arith.constant 0 : i32
    %swap3A_273 = arith.index_cast %swap3A_272 : i32 to index
    %swap3A_274 = arith.constant 64 : index
    %swap3A_275 = tpu.vector_load %arg9[%swap3A_273, %swap3A_274] {strides = array<i32>} : memref<4x128xi32, #tpu.memory_space<vmem>>, vector<1x16xi32>,
    %swap3A_276 = vector.shape_cast %swap3A_275 : vector<1x16xi32> to vector<16xi32>
    %swap3A_277 = vector.shape_cast %select_n3A_271 : vector<16xi32> to vector<1x16xi32>
    tpu.vector_store %arg9[%swap3A_273, %swap3A_274], %swap3A_277 {strides = array<i32>} : memref<4x128xi32, #tpu.memory_space<vmem>>, vector<1x16xi32>,
    %get3A_278 = arith.constant 80 : index
    %get3A_279 = tpu.vector_load %arg8[%get3A_278] {strides = array<i32>} : memref<512xi32, #tpu.memory_space<vmem>>, vector<16xi32>,
    %get3A_280 = vector.shape_cast %get3A_279 : vector<16xi32> to vector<16xi32>
    %shift_right_arithmetic3A_281 = arith.constant 7 : i32
    %shift_right_arithmetic3A_282 = vector.broadcast %shift_right_arithmetic3A_281 : i32 to vector<16xi32>
    %shift_right_arithmetic3A_283 = arith.shrsi %get3A_280, %shift_right_arithmetic3A_282 : vector<16xi32>
    %sub3A_284 = vector.broadcast %arg0 : i32 to vector<16xi32>
    %sub3A_285 = arith.subi %shift_right_arithmetic3A_283, %sub3A_284 : vector<16xi32>
    %mul3A_286 = arith.constant 65536 : i32
    %mul3A_287 = vector.broadcast %mul3A_286 : i32 to vector<16xi32>
    %mul3A_288 = arith.muli %sub3A_285, %mul3A_287 : vector<16xi32>
    %get3A_289 = arith.constant 80 : index
    %get3A_290 = tpu.vector_load %arg7[%get3A_289] {strides = array<i32>} : memref<512xi32, #tpu.memory_space<vmem>>, vector<16xi32>,
    %get3A_291 = vector.shape_cast %get3A_290 : vector<16xi32> to vector<16xi32>
    %mul3A_292 = arith.constant 128 : i32
    %mul3A_293 = vector.broadcast %mul3A_292 : i32 to vector<16xi32>
    %mul3A_294 = arith.muli %get3A_291, %mul3A_293 : vector<16xi32>
    %add3A_295 = arith.addi %mul3A_288, %mul3A_294 : vector<16xi32>
    %and3A_296 = arith.constant 127 : i32
    %and3A_297 = vector.broadcast %and3A_296 : i32 to vector<16xi32>
    %and3A_298 = arith.andi %get3A_280, %and3A_297 : vector<16xi32>
    %add3A_299 = arith.addi %add3A_295, %and3A_298 : vector<16xi32>
    %ge3A_300 = arith.constant 0 : i32
    %ge3A_301 = vector.broadcast %ge3A_300 : i32 to vector<16xi32>
    %ge3A_302 = arith.cmpi sge, %add3A_299, %ge3A_301 : vector<16xi32>
    %lt3A_303 = arith.constant 65536 : i32
    %lt3A_304 = vector.broadcast %lt3A_303 : i32 to vector<16xi32>
    %lt3A_305 = arith.cmpi slt, %add3A_299, %lt3A_304 : vector<16xi32>
    %and3A_306 = arith.andi %ge3A_302, %lt3A_305 : vector<16xi1>
    %jit3A_307 = arith.constant 65536 : i32
    %broadcast_in_dim3A_308 = vector.broadcast %jit3A_307 : i32 to vector<16xi32>
    %select_n3A_309 = arith.select %and3A_306, %add3A_299, %broadcast_in_dim3A_308 : vector<16xi1>, vector<16xi32>
    %swap3A_310 = arith.constant 0 : i32
    %swap3A_311 = arith.index_cast %swap3A_310 : i32 to index
    %swap3A_312 = arith.constant 80 : index
    %swap3A_313 = tpu.vector_load %arg9[%swap3A_311, %swap3A_312] {strides = array<i32>} : memref<4x128xi32, #tpu.memory_space<vmem>>, vector<1x16xi32>,
    %swap3A_314 = vector.shape_cast %swap3A_313 : vector<1x16xi32> to vector<16xi32>
    %swap3A_315 = vector.shape_cast %select_n3A_309 : vector<16xi32> to vector<1x16xi32>
    tpu.vector_store %arg9[%swap3A_311, %swap3A_312], %swap3A_315 {strides = array<i32>} : memref<4x128xi32, #tpu.memory_space<vmem>>, vector<1x16xi32>,
    %get3A_316 = arith.constant 96 : index
    %get3A_317 = tpu.vector_load %arg8[%get3A_316] {strides = array<i32>} : memref<512xi32, #tpu.memory_space<vmem>>, vector<16xi32>,
    %get3A_318 = vector.shape_cast %get3A_317 : vector<16xi32> to vector<16xi32>
    %shift_right_arithmetic3A_319 = arith.constant 7 : i32
    %shift_right_arithmetic3A_320 = vector.broadcast %shift_right_arithmetic3A_319 : i32 to vector<16xi32>
    %shift_right_arithmetic3A_321 = arith.shrsi %get3A_318, %shift_right_arithmetic3A_320 : vector<16xi32>
    %sub3A_322 = vector.broadcast %arg0 : i32 to vector<16xi32>
    %sub3A_323 = arith.subi %shift_right_arithmetic3A_321, %sub3A_322 : vector<16xi32>
    %mul3A_324 = arith.constant 65536 : i32
    %mul3A_325 = vector.broadcast %mul3A_324 : i32 to vector<16xi32>
    %mul3A_326 = arith.muli %sub3A_323, %mul3A_325 : vector<16xi32>
    %get3A_327 = arith.constant 96 : index
    %get3A_328 = tpu.vector_load %arg7[%get3A_327] {strides = array<i32>} : memref<512xi32, #tpu.memory_space<vmem>>, vector<16xi32>,
    %get3A_329 = vector.shape_cast %get3A_328 : vector<16xi32> to vector<16xi32>
    %mul3A_330 = arith.constant 128 : i32
    %mul3A_331 = vector.broadcast %mul3A_330 : i32 to vector<16xi32>
    %mul3A_332 = arith.muli %get3A_329, %mul3A_331 : vector<16xi32>
    %add3A_333 = arith.addi %mul3A_326, %mul3A_332 : vector<16xi32>
    %and3A_334 = arith.constant 127 : i32
    %and3A_335 = vector.broadcast %and3A_334 : i32 to vector<16xi32>
    %and3A_336 = arith.andi %get3A_318, %and3A_335 : vector<16xi32>
    %add3A_337 = arith.addi %add3A_333, %and3A_336 : vector<16xi32>
    %ge3A_338 = arith.constant 0 : i32
    %ge3A_339 = vector.broadcast %ge3A_338 : i32 to vector<16xi32>
    %ge3A_340 = arith.cmpi sge, %add3A_337, %ge3A_339 : vector<16xi32>
    %lt3A_341 = arith.constant 65536 : i32
    %lt3A_342 = vector.broadcast %lt3A_341 : i32 to vector<16xi32>
    %lt3A_343 = arith.cmpi slt, %add3A_337, %lt3A_342 : vector<16xi32>
    %and3A_344 = arith.andi %ge3A_340, %lt3A_343 : vector<16xi1>
    %jit3A_345 = arith.constant 65536 : i32
    %broadcast_in_dim3A_346 = vector.broadcast %jit3A_345 : i32 to vector<16xi32>
    %select_n3A_347 = arith.select %and3A_344, %add3A_337, %broadcast_in_dim3A_346 : vector<16xi1>, vector<16xi32>
    %swap3A_348 = arith.constant 0 : i32
    %swap3A_349 = arith.index_cast %swap3A_348 : i32 to index
    %swap3A_350 = arith.constant 96 : index
    %swap3A_351 = tpu.vector_load %arg9[%swap3A_349, %swap3A_350] {strides = array<i32>} : memref<4x128xi32, #tpu.memory_space<vmem>>, vector<1x16xi32>,
    %swap3A_352 = vector.shape_cast %swap3A_351 : vector<1x16xi32> to vector<16xi32>
    %swap3A_353 = vector.shape_cast %select_n3A_347 : vector<16xi32> to vector<1x16xi32>
    tpu.vector_store %arg9[%swap3A_349, %swap3A_350], %swap3A_353 {strides = array<i32>} : memref<4x128xi32, #tpu.memory_space<vmem>>, vector<1x16xi32>,
    %get3A_354 = arith.constant 112 : index
    %get3A_355 = tpu.vector_load %arg8[%get3A_354] {strides = array<i32>} : memref<512xi32, #tpu.memory_space<vmem>>, vector<16xi32>,
    %get3A_356 = vector.shape_cast %get3A_355 : vector<16xi32> to vector<16xi32>
    %shift_right_arithmetic3A_357 = arith.constant 7 : i32
    %shift_right_arithmetic3A_358 = vector.broadcast %shift_right_arithmetic3A_357 : i32 to vector<16xi32>
    %shift_right_arithmetic3A_359 = arith.shrsi %get3A_356, %shift_right_arithmetic3A_358 : vector<16xi32>
    %sub3A_360 = vector.broadcast %arg0 : i32 to vector<16xi32>
    %sub3A_361 = arith.subi %shift_right_arithmetic3A_359, %sub3A_360 : vector<16xi32>
    %mul3A_362 = arith.constant 65536 : i32
    %mul3A_363 = vector.broadcast %mul3A_362 : i32 to vector<16xi32>
    %mul3A_364 = arith.muli %sub3A_361, %mul3A_363 : vector<16xi32>
    %get3A_365 = arith.constant 112 : index
    %get3A_366 = tpu.vector_load %arg7[%get3A_365] {strides = array<i32>} : memref<512xi32, #tpu.memory_space<vmem>>, vector<16xi32>,
    %get3A_367 = vector.shape_cast %get3A_366 : vector<16xi32> to vector<16xi32>
    %mul3A_368 = arith.constant 128 : i32
    %mul3A_369 = vector.broadcast %mul3A_368 : i32 to vector<16xi32>
    %mul3A_370 = arith.muli %get3A_367, %mul3A_369 : vector<16xi32>
    %add3A_371 = arith.addi %mul3A_364, %mul3A_370 : vector<16xi32>
    %and3A_372 = arith.constant 127 : i32
    %and3A_373 = vector.broadcast %and3A_372 : i32 to vector<16xi32>
    %and3A_374 = arith.andi %get3A_356, %and3A_373 : vector<16xi32>
    %add3A_375 = arith.addi %add3A_371, %and3A_374 : vector<16xi32>
    %ge3A_376 = arith.constant 0 : i32
    %ge3A_377 = vector.broadcast %ge3A_376 : i32 to vector<16xi32>
    %ge3A_378 = arith.cmpi sge, %add3A_375, %ge3A_377 : vector<16xi32>
    %lt3A_379 = arith.constant 65536 : i32
    %lt3A_380 = vector.broadcast %lt3A_379 : i32 to vector<16xi32>
    %lt3A_381 = arith.cmpi slt, %add3A_375, %lt3A_380 : vector<16xi32>
    %and3A_382 = arith.andi %ge3A_378, %lt3A_381 : vector<16xi1>
    %jit3A_383 = arith.constant 65536 : i32
    %broadcast_in_dim3A_384 = vector.broadcast %jit3A_383 : i32 to vector<16xi32>
    %select_n3A_385 = arith.select %and3A_382, %add3A_375, %broadcast_in_dim3A_384 : vector<16xi1>, vector<16xi32>
    %swap3A_386 = arith.constant 0 : i32
    %swap3A_387 = arith.index_cast %swap3A_386 : i32 to index
    %swap3A_388 = arith.constant 112 : index
    %swap3A_389 = tpu.vector_load %arg9[%swap3A_387, %swap3A_388] {strides = array<i32>} : memref<4x128xi32, #tpu.memory_space<vmem>>, vector<1x16xi32>,
    %swap3A_390 = vector.shape_cast %swap3A_389 : vector<1x16xi32> to vector<16xi32>
    %swap3A_391 = vector.shape_cast %select_n3A_385 : vector<16xi32> to vector<1x16xi32>
    tpu.vector_store %arg9[%swap3A_387, %swap3A_388], %swap3A_391 {strides = array<i32>} : memref<4x128xi32, #tpu.memory_space<vmem>>, vector<1x16xi32>,
    %get3A_392 = arith.constant 128 : index
    %get3A_393 = tpu.vector_load %arg8[%get3A_392] {strides = array<i32>} : memref<512xi32, #tpu.memory_space<vmem>>, vector<16xi32>,
    %get3A_394 = vector.shape_cast %get3A_393 : vector<16xi32> to vector<16xi32>
    %shift_right_arithmetic3A_395 = arith.constant 7 : i32
    %shift_right_arithmetic3A_396 = vector.broadcast %shift_right_arithmetic3A_395 : i32 to vector<16xi32>
    %shift_right_arithmetic3A_397 = arith.shrsi %get3A_394, %shift_right_arithmetic3A_396 : vector<16xi32>
    %sub3A_398 = vector.broadcast %arg0 : i32 to vector<16xi32>
    %sub3A_399 = arith.subi %shift_right_arithmetic3A_397, %sub3A_398 : vector<16xi32>
    %mul3A_400 = arith.constant 65536 : i32
    %mul3A_401 = vector.broadcast %mul3A_400 : i32 to vector<16xi32>
    %mul3A_402 = arith.muli %sub3A_399, %mul3A_401 : vector<16xi32>
    %get3A_403 = arith.constant 128 : index
    %get3A_404 = tpu.vector_load %arg7[%get3A_403] {strides = array<i32>} : memref<512xi32, #tpu.memory_space<vmem>>, vector<16xi32>,
    %get3A_405 = vector.shape_cast %get3A_404 : vector<16xi32> to vector<16xi32>
    %mul3A_406 = arith.constant 128 : i32
    %mul3A_407 = vector.broadcast %mul3A_406 : i32 to vector<16xi32>
    %mul3A_408 = arith.muli %get3A_405, %mul3A_407 : vector<16xi32>
    %add3A_409 = arith.addi %mul3A_402, %mul3A_408 : vector<16xi32>
    %and3A_410 = arith.constant 127 : i32
    %and3A_411 = vector.broadcast %and3A_410 : i32 to vector<16xi32>
    %and3A_412 = arith.andi %get3A_394, %and3A_411 : vector<16xi32>
    %add3A_413 = arith.addi %add3A_409, %and3A_412 : vector<16xi32>
    %ge3A_414 = arith.constant 0 : i32
    %ge3A_415 = vector.broadcast %ge3A_414 : i32 to vector<16xi32>
    %ge3A_416 = arith.cmpi sge, %add3A_413, %ge3A_415 : vector<16xi32>
    %lt3A_417 = arith.constant 65536 : i32
    %lt3A_418 = vector.broadcast %lt3A_417 : i32 to vector<16xi32>
    %lt3A_419 = arith.cmpi slt, %add3A_413, %lt3A_418 : vector<16xi32>
    %and3A_420 = arith.andi %ge3A_416, %lt3A_419 : vector<16xi1>
    %jit3A_421 = arith.constant 65536 : i32
    %broadcast_in_dim3A_422 = vector.broadcast %jit3A_421 : i32 to vector<16xi32>
    %select_n3A_423 = arith.select %and3A_420, %add3A_413, %broadcast_in_dim3A_422 : vector<16xi1>, vector<16xi32>
    %swap3A_424 = arith.constant 1 : i32
    %swap3A_425 = arith.index_cast %swap3A_424 : i32 to index
    %swap3A_426 = arith.constant 0 : index
    %swap3A_427 = tpu.vector_load %arg9[%swap3A_425, %swap3A_426] {strides = array<i32>} : memref<4x128xi32, #tpu.memory_space<vmem>>, vector<1x16xi32>,
    %swap3A_428 = vector.shape_cast %swap3A_427 : vector<1x16xi32> to vector<16xi32>
    %swap3A_429 = vector.shape_cast %select_n3A_423 : vector<16xi32> to vector<1x16xi32>
    tpu.vector_store %arg9[%swap3A_425, %swap3A_426], %swap3A_429 {strides = array<i32>} : memref<4x128xi32, #tpu.memory_space<vmem>>, vector<1x16xi32>,
    %get3A_430 = arith.constant 144 : index
    %get3A_431 = tpu.vector_load %arg8[%get3A_430] {strides = array<i32>} : memref<512xi32, #tpu.memory_space<vmem>>, vector<16xi32>,
    %get3A_432 = vector.shape_cast %get3A_431 : vector<16xi32> to vector<16xi32>
    %shift_right_arithmetic3A_433 = arith.constant 7 : i32
    %shift_right_arithmetic3A_434 = vector.broadcast %shift_right_arithmetic3A_433 : i32 to vector<16xi32>
    %shift_right_arithmetic3A_435 = arith.shrsi %get3A_432, %shift_right_arithmetic3A_434 : vector<16xi32>
    %sub3A_436 = vector.broadcast %arg0 : i32 to vector<16xi32>
    %sub3A_437 = arith.subi %shift_right_arithmetic3A_435, %sub3A_436 : vector<16xi32>
    %mul3A_438 = arith.constant 65536 : i32
    %mul3A_439 = vector.broadcast %mul3A_438 : i32 to vector<16xi32>
    %mul3A_440 = arith.muli %sub3A_437, %mul3A_439 : vector<16xi32>
    %get3A_441 = arith.constant 144 : index
    %get3A_442 = tpu.vector_load %arg7[%get3A_441] {strides = array<i32>} : memref<512xi32, #tpu.memory_space<vmem>>, vector<16xi32>,
    %get3A_443 = vector.shape_cast %get3A_442 : vector<16xi32> to vector<16xi32>
    %mul3A_444 = arith.constant 128 : i32
    %mul3A_445 = vector.broadcast %mul3A_444 : i32 to vector<16xi32>
    %mul3A_446 = arith.muli %get3A_443, %mul3A_445 : vector<16xi32>
    %add3A_447 = arith.addi %mul3A_440, %mul3A_446 : vector<16xi32>
    %and3A_448 = arith.constant 127 : i32
    %and3A_449 = vector.broadcast %and3A_448 : i32 to vector<16xi32>
    %and3A_450 = arith.andi %get3A_432, %and3A_449 : vector<16xi32>
    %add3A_451 = arith.addi %add3A_447, %and3A_450 : vector<16xi32>
    %ge3A_452 = arith.constant 0 : i32
    %ge3A_453 = vector.broadcast %ge3A_452 : i32 to vector<16xi32>
    %ge3A_454 = arith.cmpi sge, %add3A_451, %ge3A_453 : vector<16xi32>
    %lt3A_455 = arith.constant 65536 : i32
    %lt3A_456 = vector.broadcast %lt3A_455 : i32 to vector<16xi32>
    %lt3A_457 = arith.cmpi slt, %add3A_451, %lt3A_456 : vector<16xi32>
    %and3A_458 = arith.andi %ge3A_454, %lt3A_457 : vector<16xi1>
    %jit3A_459 = arith.constant 65536 : i32
    %broadcast_in_dim3A_460 = vector.broadcast %jit3A_459 : i32 to vector<16xi32>
    %select_n3A_461 = arith.select %and3A_458, %add3A_451, %broadcast_in_dim3A_460 : vector<16xi1>, vector<16xi32>
    %swap3A_462 = arith.constant 1 : i32
    %swap3A_463 = arith.index_cast %swap3A_462 : i32 to index
    %swap3A_464 = arith.constant 16 : index
    %swap3A_465 = tpu.vector_load %arg9[%swap3A_463, %swap3A_464] {strides = array<i32>} : memref<4x128xi32, #tpu.memory_space<vmem>>, vector<1x16xi32>,
    %swap3A_466 = vector.shape_cast %swap3A_465 : vector<1x16xi32> to vector<16xi32>
    %swap3A_467 = vector.shape_cast %select_n3A_461 : vector<16xi32> to vector<1x16xi32>
    tpu.vector_store %arg9[%swap3A_463, %swap3A_464], %swap3A_467 {strides = array<i32>} : memref<4x128xi32, #tpu.memory_space<vmem>>, vector<1x16xi32>,
    %get3A_468 = arith.constant 160 : index
    %get3A_469 = tpu.vector_load %arg8[%get3A_468] {strides = array<i32>} : memref<512xi32, #tpu.memory_space<vmem>>, vector<16xi32>,
    %get3A_470 = vector.shape_cast %get3A_469 : vector<16xi32> to vector<16xi32>
    %shift_right_arithmetic3A_471 = arith.constant 7 : i32
    %shift_right_arithmetic3A_472 = vector.broadcast %shift_right_arithmetic3A_471 : i32 to vector<16xi32>
    %shift_right_arithmetic3A_473 = arith.shrsi %get3A_470, %shift_right_arithmetic3A_472 : vector<16xi32>
    %sub3A_474 = vector.broadcast %arg0 : i32 to vector<16xi32>
    %sub3A_475 = arith.subi %shift_right_arithmetic3A_473, %sub3A_474 : vector<16xi32>
    %mul3A_476 = arith.constant 65536 : i32
    %mul3A_477 = vector.broadcast %mul3A_476 : i32 to vector<16xi32>
    %mul3A_478 = arith.muli %sub3A_475, %mul3A_477 : vector<16xi32>
    %get3A_479 = arith.constant 160 : index
    %get3A_480 = tpu.vector_load %arg7[%get3A_479] {strides = array<i32>} : memref<512xi32, #tpu.memory_space<vmem>>, vector<16xi32>,
    %get3A_481 = vector.shape_cast %get3A_480 : vector<16xi32> to vector<16xi32>
    %mul3A_482 = arith.constant 128 : i32
    %mul3A_483 = vector.broadcast %mul3A_482 : i32 to vector<16xi32>
    %mul3A_484 = arith.muli %get3A_481, %mul3A_483 : vector<16xi32>
    %add3A_485 = arith.addi %mul3A_478, %mul3A_484 : vector<16xi32>
    %and3A_486 = arith.constant 127 : i32
    %and3A_487 = vector.broadcast %and3A_486 : i32 to vector<16xi32>
    %and3A_488 = arith.andi %get3A_470, %and3A_487 : vector<16xi32>
    %add3A_489 = arith.addi %add3A_485, %and3A_488 : vector<16xi32>
    %ge3A_490 = arith.constant 0 : i32
    %ge3A_491 = vector.broadcast %ge3A_490 : i32 to vector<16xi32>
    %ge3A_492 = arith.cmpi sge, %add3A_489, %ge3A_491 : vector<16xi32>
    %lt3A_493 = arith.constant 65536 : i32
    %lt3A_494 = vector.broadcast %lt3A_493 : i32 to vector<16xi32>
    %lt3A_495 = arith.cmpi slt, %add3A_489, %lt3A_494 : vector<16xi32>
    %and3A_496 = arith.andi %ge3A_492, %lt3A_495 : vector<16xi1>
    %jit3A_497 = arith.constant 65536 : i32
    %broadcast_in_dim3A_498 = vector.broadcast %jit3A_497 : i32 to vector<16xi32>
    %select_n3A_499 = arith.select %and3A_496, %add3A_489, %broadcast_in_dim3A_498 : vector<16xi1>, vector<16xi32>
    %swap3A_500 = arith.constant 1 : i32
    %swap3A_501 = arith.index_cast %swap3A_500 : i32 to index
    %swap3A_502 = arith.constant 32 : index
    %swap3A_503 = tpu.vector_load %arg9[%swap3A_501, %swap3A_502] {strides = array<i32>} : memref<4x128xi32, #tpu.memory_space<vmem>>, vector<1x16xi32>,
    %swap3A_504 = vector.shape_cast %swap3A_503 : vector<1x16xi32> to vector<16xi32>
    %swap3A_505 = vector.shape_cast %select_n3A_499 : vector<16xi32> to vector<1x16xi32>
    tpu.vector_store %arg9[%swap3A_501, %swap3A_502], %swap3A_505 {strides = array<i32>} : memref<4x128xi32, #tpu.memory_space<vmem>>, vector<1x16xi32>,
    %get3A_506 = arith.constant 176 : index
    %get3A_507 = tpu.vector_load %arg8[%get3A_506] {strides = array<i32>} : memref<512xi32, #tpu.memory_space<vmem>>, vector<16xi32>,
    %get3A_508 = vector.shape_cast %get3A_507 : vector<16xi32> to vector<16xi32>
    %shift_right_arithmetic3A_509 = arith.constant 7 : i32
    %shift_right_arithmetic3A_510 = vector.broadcast %shift_right_arithmetic3A_509 : i32 to vector<16xi32>
    %shift_right_arithmetic3A_511 = arith.shrsi %get3A_508, %shift_right_arithmetic3A_510 : vector<16xi32>
    %sub3A_512 = vector.broadcast %arg0 : i32 to vector<16xi32>
    %sub3A_513 = arith.subi %shift_right_arithmetic3A_511, %sub3A_512 : vector<16xi32>
    %mul3A_514 = arith.constant 65536 : i32
    %mul3A_515 = vector.broadcast %mul3A_514 : i32 to vector<16xi32>
    %mul3A_516 = arith.muli %sub3A_513, %mul3A_515 : vector<16xi32>
    %get3A_517 = arith.constant 176 : index
    %get3A_518 = tpu.vector_load %arg7[%get3A_517] {strides = array<i32>} : memref<512xi32, #tpu.memory_space<vmem>>, vector<16xi32>,
    %get3A_519 = vector.shape_cast %get3A_518 : vector<16xi32> to vector<16xi32>
    %mul3A_520 = arith.constant 128 : i32
    %mul3A_521 = vector.broadcast %mul3A_520 : i32 to vector<16xi32>
    %mul3A_522 = arith.muli %get3A_519, %mul3A_521 : vector<16xi32>
    %add3A_523 = arith.addi %mul3A_516, %mul3A_522 : vector<16xi32>
    %and3A_524 = arith.constant 127 : i32
    %and3A_525 = vector.broadcast %and3A_524 : i32 to vector<16xi32>
    %and3A_526 = arith.andi %get3A_508, %and3A_525 : vector<16xi32>
    %add3A_527 = arith.addi %add3A_523, %and3A_526 : vector<16xi32>
    %ge3A_528 = arith.constant 0 : i32
    %ge3A_529 = vector.broadcast %ge3A_528 : i32 to vector<16xi32>
    %ge3A_530 = arith.cmpi sge, %add3A_527, %ge3A_529 : vector<16xi32>
    %lt3A_531 = arith.constant 65536 : i32
    %lt3A_532 = vector.broadcast %lt3A_531 : i32 to vector<16xi32>
    %lt3A_533 = arith.cmpi slt, %add3A_527, %lt3A_532 : vector<16xi32>
    %and3A_534 = arith.andi %ge3A_530, %lt3A_533 : vector<16xi1>
    %jit3A_535 = arith.constant 65536 : i32
    %broadcast_in_dim3A_536 = vector.broadcast %jit3A_535 : i32 to vector<16xi32>
    %select_n3A_537 = arith.select %and3A_534, %add3A_527, %broadcast_in_dim3A_536 : vector<16xi1>, vector<16xi32>
    %swap3A_538 = arith.constant 1 : i32
    %swap3A_539 = arith.index_cast %swap3A_538 : i32 to index
    %swap3A_540 = arith.constant 48 : index
    %swap3A_541 = tpu.vector_load %arg9[%swap3A_539, %swap3A_540] {strides = array<i32>} : memref<4x128xi32, #tpu.memory_space<vmem>>, vector<1x16xi32>,
    %swap3A_542 = vector.shape_cast %swap3A_541 : vector<1x16xi32> to vector<16xi32>
    %swap3A_543 = vector.shape_cast %select_n3A_537 : vector<16xi32> to vector<1x16xi32>
    tpu.vector_store %arg9[%swap3A_539, %swap3A_540], %swap3A_543 {strides = array<i32>} : memref<4x128xi32, #tpu.memory_space<vmem>>, vector<1x16xi32>,
    %get3A_544 = arith.constant 192 : index
    %get3A_545 = tpu.vector_load %arg8[%get3A_544] {strides = array<i32>} : memref<512xi32, #tpu.memory_space<vmem>>, vector<16xi32>,
    %get3A_546 = vector.shape_cast %get3A_545 : vector<16xi32> to vector<16xi32>
    %shift_right_arithmetic3A_547 = arith.constant 7 : i32
    %shift_right_arithmetic3A_548 = vector.broadcast %shift_right_arithmetic3A_547 : i32 to vector<16xi32>
    %shift_right_arithmetic3A_549 = arith.shrsi %get3A_546, %shift_right_arithmetic3A_548 : vector<16xi32>
    %sub3A_550 = vector.broadcast %arg0 : i32 to vector<16xi32>
    %sub3A_551 = arith.subi %shift_right_arithmetic3A_549, %sub3A_550 : vector<16xi32>
    %mul3A_552 = arith.constant 65536 : i32
    %mul3A_553 = vector.broadcast %mul3A_552 : i32 to vector<16xi32>
    %mul3A_554 = arith.muli %sub3A_551, %mul3A_553 : vector<16xi32>
    %get3A_555 = arith.constant 192 : index
    %get3A_556 = tpu.vector_load %arg7[%get3A_555] {strides = array<i32>} : memref<512xi32, #tpu.memory_space<vmem>>, vector<16xi32>,
    %get3A_557 = vector.shape_cast %get3A_556 : vector<16xi32> to vector<16xi32>
    %mul3A_558 = arith.constant 128 : i32
    %mul3A_559 = vector.broadcast %mul3A_558 : i32 to vector<16xi32>
    %mul3A_560 = arith.muli %get3A_557, %mul3A_559 : vector<16xi32>
    %add3A_561 = arith.addi %mul3A_554, %mul3A_560 : vector<16xi32>
    %and3A_562 = arith.constant 127 : i32
    %and3A_563 = vector.broadcast %and3A_562 : i32 to vector<16xi32>
    %and3A_564 = arith.andi %get3A_546, %and3A_563 : vector<16xi32>
    %add3A_565 = arith.addi %add3A_561, %and3A_564 : vector<16xi32>
    %ge3A_566 = arith.constant 0 : i32
    %ge3A_567 = vector.broadcast %ge3A_566 : i32 to vector<16xi32>
    %ge3A_568 = arith.cmpi sge, %add3A_565, %ge3A_567 : vector<16xi32>
    %lt3A_569 = arith.constant 65536 : i32
    %lt3A_570 = vector.broadcast %lt3A_569 : i32 to vector<16xi32>
    %lt3A_571 = arith.cmpi slt, %add3A_565, %lt3A_570 : vector<16xi32>
    %and3A_572 = arith.andi %ge3A_568, %lt3A_571 : vector<16xi1>
    %jit3A_573 = arith.constant 65536 : i32
    %broadcast_in_dim3A_574 = vector.broadcast %jit3A_573 : i32 to vector<16xi32>
    %select_n3A_575 = arith.select %and3A_572, %add3A_565, %broadcast_in_dim3A_574 : vector<16xi1>, vector<16xi32>
    %swap3A_576 = arith.constant 1 : i32
    %swap3A_577 = arith.index_cast %swap3A_576 : i32 to index
    %swap3A_578 = arith.constant 64 : index
    %swap3A_579 = tpu.vector_load %arg9[%swap3A_577, %swap3A_578] {strides = array<i32>} : memref<4x128xi32, #tpu.memory_space<vmem>>, vector<1x16xi32>,
    %swap3A_580 = vector.shape_cast %swap3A_579 : vector<1x16xi32> to vector<16xi32>
    %swap3A_581 = vector.shape_cast %select_n3A_575 : vector<16xi32> to vector<1x16xi32>
    tpu.vector_store %arg9[%swap3A_577, %swap3A_578], %swap3A_581 {strides = array<i32>} : memref<4x128xi32, #tpu.memory_space<vmem>>, vector<1x16xi32>,
    %get3A_582 = arith.constant 208 : index
    %get3A_583 = tpu.vector_load %arg8[%get3A_582] {strides = array<i32>} : memref<512xi32, #tpu.memory_space<vmem>>, vector<16xi32>,
    %get3A_584 = vector.shape_cast %get3A_583 : vector<16xi32> to vector<16xi32>
    %shift_right_arithmetic3A_585 = arith.constant 7 : i32
    %shift_right_arithmetic3A_586 = vector.broadcast %shift_right_arithmetic3A_585 : i32 to vector<16xi32>
    %shift_right_arithmetic3A_587 = arith.shrsi %get3A_584, %shift_right_arithmetic3A_586 : vector<16xi32>
    %sub3A_588 = vector.broadcast %arg0 : i32 to vector<16xi32>
    %sub3A_589 = arith.subi %shift_right_arithmetic3A_587, %sub3A_588 : vector<16xi32>
    %mul3A_590 = arith.constant 65536 : i32
    %mul3A_591 = vector.broadcast %mul3A_590 : i32 to vector<16xi32>
    %mul3A_592 = arith.muli %sub3A_589, %mul3A_591 : vector<16xi32>
    %get3A_593 = arith.constant 208 : index
    %get3A_594 = tpu.vector_load %arg7[%get3A_593] {strides = array<i32>} : memref<512xi32, #tpu.memory_space<vmem>>, vector<16xi32>,
    %get3A_595 = vector.shape_cast %get3A_594 : vector<16xi32> to vector<16xi32>
    %mul3A_596 = arith.constant 128 : i32
    %mul3A_597 = vector.broadcast %mul3A_596 : i32 to vector<16xi32>
    %mul3A_598 = arith.muli %get3A_595, %mul3A_597 : vector<16xi32>
    %add3A_599 = arith.addi %mul3A_592, %mul3A_598 : vector<16xi32>
    %and3A_600 = arith.constant 127 : i32
    %and3A_601 = vector.broadcast %and3A_600 : i32 to vector<16xi32>
    %and3A_602 = arith.andi %get3A_584, %and3A_601 : vector<16xi32>
    %add3A_603 = arith.addi %add3A_599, %and3A_602 : vector<16xi32>
    %ge3A_604 = arith.constant 0 : i32
    %ge3A_605 = vector.broadcast %ge3A_604 : i32 to vector<16xi32>
    %ge3A_606 = arith.cmpi sge, %add3A_603, %ge3A_605 : vector<16xi32>
    %lt3A_607 = arith.constant 65536 : i32
    %lt3A_608 = vector.broadcast %lt3A_607 : i32 to vector<16xi32>
    %lt3A_609 = arith.cmpi slt, %add3A_603, %lt3A_608 : vector<16xi32>
    %and3A_610 = arith.andi %ge3A_606, %lt3A_609 : vector<16xi1>
    %jit3A_611 = arith.constant 65536 : i32
    %broadcast_in_dim3A_612 = vector.broadcast %jit3A_611 : i32 to vector<16xi32>
    %select_n3A_613 = arith.select %and3A_610, %add3A_603, %broadcast_in_dim3A_612 : vector<16xi1>, vector<16xi32>
    %swap3A_614 = arith.constant 1 : i32
    %swap3A_615 = arith.index_cast %swap3A_614 : i32 to index
    %swap3A_616 = arith.constant 80 : index
    %swap3A_617 = tpu.vector_load %arg9[%swap3A_615, %swap3A_616] {strides = array<i32>} : memref<4x128xi32, #tpu.memory_space<vmem>>, vector<1x16xi32>,
    %swap3A_618 = vector.shape_cast %swap3A_617 : vector<1x16xi32> to vector<16xi32>
    %swap3A_619 = vector.shape_cast %select_n3A_613 : vector<16xi32> to vector<1x16xi32>
    tpu.vector_store %arg9[%swap3A_615, %swap3A_616], %swap3A_619 {strides = array<i32>} : memref<4x128xi32, #tpu.memory_space<vmem>>, vector<1x16xi32>,
    %get3A_620 = arith.constant 224 : index
    %get3A_621 = tpu.vector_load %arg8[%get3A_620] {strides = array<i32>} : memref<512xi32, #tpu.memory_space<vmem>>, vector<16xi32>,
    %get3A_622 = vector.shape_cast %get3A_621 : vector<16xi32> to vector<16xi32>
    %shift_right_arithmetic3A_623 = arith.constant 7 : i32
    %shift_right_arithmetic3A_624 = vector.broadcast %shift_right_arithmetic3A_623 : i32 to vector<16xi32>
    %shift_right_arithmetic3A_625 = arith.shrsi %get3A_622, %shift_right_arithmetic3A_624 : vector<16xi32>
    %sub3A_626 = vector.broadcast %arg0 : i32 to vector<16xi32>
    %sub3A_627 = arith.subi %shift_right_arithmetic3A_625, %sub3A_626 : vector<16xi32>
    %mul3A_628 = arith.constant 65536 : i32
    %mul3A_629 = vector.broadcast %mul3A_628 : i32 to vector<16xi32>
    %mul3A_630 = arith.muli %sub3A_627, %mul3A_629 : vector<16xi32>
    %get3A_631 = arith.constant 224 : index
    %get3A_632 = tpu.vector_load %arg7[%get3A_631] {strides = array<i32>} : memref<512xi32, #tpu.memory_space<vmem>>, vector<16xi32>,
    %get3A_633 = vector.shape_cast %get3A_632 : vector<16xi32> to vector<16xi32>
    %mul3A_634 = arith.constant 128 : i32
    %mul3A_635 = vector.broadcast %mul3A_634 : i32 to vector<16xi32>
    %mul3A_636 = arith.muli %get3A_633, %mul3A_635 : vector<16xi32>
    %add3A_637 = arith.addi %mul3A_630, %mul3A_636 : vector<16xi32>
    %and3A_638 = arith.constant 127 : i32
    %and3A_639 = vector.broadcast %and3A_638 : i32 to vector<16xi32>
    %and3A_640 = arith.andi %get3A_622, %and3A_639 : vector<16xi32>
    %add3A_641 = arith.addi %add3A_637, %and3A_640 : vector<16xi32>
    %ge3A_642 = arith.constant 0 : i32
    %ge3A_643 = vector.broadcast %ge3A_642 : i32 to vector<16xi32>
    %ge3A_644 = arith.cmpi sge, %add3A_641, %ge3A_643 : vector<16xi32>
    %lt3A_645 = arith.constant 65536 : i32
    %lt3A_646 = vector.broadcast %lt3A_645 : i32 to vector<16xi32>
    %lt3A_647 = arith.cmpi slt, %add3A_641, %lt3A_646 : vector<16xi32>
    %and3A_648 = arith.andi %ge3A_644, %lt3A_647 : vector<16xi1>
    %jit3A_649 = arith.constant 65536 : i32
    %broadcast_in_dim3A_650 = vector.broadcast %jit3A_649 : i32 to vector<16xi32>
    %select_n3A_651 = arith.select %and3A_648, %add3A_641, %broadcast_in_dim3A_650 : vector<16xi1>, vector<16xi32>
    %swap3A_652 = arith.constant 1 : i32
    %swap3A_653 = arith.index_cast %swap3A_652 : i32 to index
    %swap3A_654 = arith.constant 96 : index
    %swap3A_655 = tpu.vector_load %arg9[%swap3A_653, %swap3A_654] {strides = array<i32>} : memref<4x128xi32, #tpu.memory_space<vmem>>, vector<1x16xi32>,
    %swap3A_656 = vector.shape_cast %swap3A_655 : vector<1x16xi32> to vector<16xi32>
    %swap3A_657 = vector.shape_cast %select_n3A_651 : vector<16xi32> to vector<1x16xi32>
    tpu.vector_store %arg9[%swap3A_653, %swap3A_654], %swap3A_657 {strides = array<i32>} : memref<4x128xi32, #tpu.memory_space<vmem>>, vector<1x16xi32>,
    %get3A_658 = arith.constant 240 : index
    %get3A_659 = tpu.vector_load %arg8[%get3A_658] {strides = array<i32>} : memref<512xi32, #tpu.memory_space<vmem>>, vector<16xi32>,
    %get3A_660 = vector.shape_cast %get3A_659 : vector<16xi32> to vector<16xi32>
    %shift_right_arithmetic3A_661 = arith.constant 7 : i32
    %shift_right_arithmetic3A_662 = vector.broadcast %shift_right_arithmetic3A_661 : i32 to vector<16xi32>
    %shift_right_arithmetic3A_663 = arith.shrsi %get3A_660, %shift_right_arithmetic3A_662 : vector<16xi32>
    %sub3A_664 = vector.broadcast %arg0 : i32 to vector<16xi32>
    %sub3A_665 = arith.subi %shift_right_arithmetic3A_663, %sub3A_664 : vector<16xi32>
    %mul3A_666 = arith.constant 65536 : i32
    %mul3A_667 = vector.broadcast %mul3A_666 : i32 to vector<16xi32>
    %mul3A_668 = arith.muli %sub3A_665, %mul3A_667 : vector<16xi32>
    %get3A_669 = arith.constant 240 : index
    %get3A_670 = tpu.vector_load %arg7[%get3A_669] {strides = array<i32>} : memref<512xi32, #tpu.memory_space<vmem>>, vector<16xi32>,
    %get3A_671 = vector.shape_cast %get3A_670 : vector<16xi32> to vector<16xi32>
    %mul3A_672 = arith.constant 128 : i32
    %mul3A_673 = vector.broadcast %mul3A_672 : i32 to vector<16xi32>
    %mul3A_674 = arith.muli %get3A_671, %mul3A_673 : vector<16xi32>
    %add3A_675 = arith.addi %mul3A_668, %mul3A_674 : vector<16xi32>
    %and3A_676 = arith.constant 127 : i32
    %and3A_677 = vector.broadcast %and3A_676 : i32 to vector<16xi32>
    %and3A_678 = arith.andi %get3A_660, %and3A_677 : vector<16xi32>
    %add3A_679 = arith.addi %add3A_675, %and3A_678 : vector<16xi32>
    %ge3A_680 = arith.constant 0 : i32
    %ge3A_681 = vector.broadcast %ge3A_680 : i32 to vector<16xi32>
    %ge3A_682 = arith.cmpi sge, %add3A_679, %ge3A_681 : vector<16xi32>
    %lt3A_683 = arith.constant 65536 : i32
    %lt3A_684 = vector.broadcast %lt3A_683 : i32 to vector<16xi32>
    %lt3A_685 = arith.cmpi slt, %add3A_679, %lt3A_684 : vector<16xi32>
    %and3A_686 = arith.andi %ge3A_682, %lt3A_685 : vector<16xi1>
    %jit3A_687 = arith.constant 65536 : i32
    %broadcast_in_dim3A_688 = vector.broadcast %jit3A_687 : i32 to vector<16xi32>
    %select_n3A_689 = arith.select %and3A_686, %add3A_679, %broadcast_in_dim3A_688 : vector<16xi1>, vector<16xi32>
    %swap3A_690 = arith.constant 1 : i32
    %swap3A_691 = arith.index_cast %swap3A_690 : i32 to index
    %swap3A_692 = arith.constant 112 : index
    %swap3A_693 = tpu.vector_load %arg9[%swap3A_691, %swap3A_692] {strides = array<i32>} : memref<4x128xi32, #tpu.memory_space<vmem>>, vector<1x16xi32>,
    %swap3A_694 = vector.shape_cast %swap3A_693 : vector<1x16xi32> to vector<16xi32>
    %swap3A_695 = vector.shape_cast %select_n3A_689 : vector<16xi32> to vector<1x16xi32>
    tpu.vector_store %arg9[%swap3A_691, %swap3A_692], %swap3A_695 {strides = array<i32>} : memref<4x128xi32, #tpu.memory_space<vmem>>, vector<1x16xi32>,
    %get3A_696 = arith.constant 256 : index
    %get3A_697 = tpu.vector_load %arg8[%get3A_696] {strides = array<i32>} : memref<512xi32, #tpu.memory_space<vmem>>, vector<16xi32>,
    %get3A_698 = vector.shape_cast %get3A_697 : vector<16xi32> to vector<16xi32>
    %shift_right_arithmetic3A_699 = arith.constant 7 : i32
    %shift_right_arithmetic3A_700 = vector.broadcast %shift_right_arithmetic3A_699 : i32 to vector<16xi32>
    %shift_right_arithmetic3A_701 = arith.shrsi %get3A_698, %shift_right_arithmetic3A_700 : vector<16xi32>
    %sub3A_702 = vector.broadcast %arg0 : i32 to vector<16xi32>
    %sub3A_703 = arith.subi %shift_right_arithmetic3A_701, %sub3A_702 : vector<16xi32>
    %mul3A_704 = arith.constant 65536 : i32
    %mul3A_705 = vector.broadcast %mul3A_704 : i32 to vector<16xi32>
    %mul3A_706 = arith.muli %sub3A_703, %mul3A_705 : vector<16xi32>
    %get3A_707 = arith.constant 256 : index
    %get3A_708 = tpu.vector_load %arg7[%get3A_707] {strides = array<i32>} : memref<512xi32, #tpu.memory_space<vmem>>, vector<16xi32>,
    %get3A_709 = vector.shape_cast %get3A_708 : vector<16xi32> to vector<16xi32>
    %mul3A_710 = arith.constant 128 : i32
    %mul3A_711 = vector.broadcast %mul3A_710 : i32 to vector<16xi32>
    %mul3A_712 = arith.muli %get3A_709, %mul3A_711 : vector<16xi32>
    %add3A_713 = arith.addi %mul3A_706, %mul3A_712 : vector<16xi32>
    %and3A_714 = arith.constant 127 : i32
    %and3A_715 = vector.broadcast %and3A_714 : i32 to vector<16xi32>
    %and3A_716 = arith.andi %get3A_698, %and3A_715 : vector<16xi32>
    %add3A_717 = arith.addi %add3A_713, %and3A_716 : vector<16xi32>
    %ge3A_718 = arith.constant 0 : i32
    %ge3A_719 = vector.broadcast %ge3A_718 : i32 to vector<16xi32>
    %ge3A_720 = arith.cmpi sge, %add3A_717, %ge3A_719 : vector<16xi32>
    %lt3A_721 = arith.constant 65536 : i32
    %lt3A_722 = vector.broadcast %lt3A_721 : i32 to vector<16xi32>
    %lt3A_723 = arith.cmpi slt, %add3A_717, %lt3A_722 : vector<16xi32>
    %and3A_724 = arith.andi %ge3A_720, %lt3A_723 : vector<16xi1>
    %jit3A_725 = arith.constant 65536 : i32
    %broadcast_in_dim3A_726 = vector.broadcast %jit3A_725 : i32 to vector<16xi32>
    %select_n3A_727 = arith.select %and3A_724, %add3A_717, %broadcast_in_dim3A_726 : vector<16xi1>, vector<16xi32>
    %swap3A_728 = arith.constant 2 : i32
    %swap3A_729 = arith.index_cast %swap3A_728 : i32 to index
    %swap3A_730 = arith.constant 0 : index
    %swap3A_731 = tpu.vector_load %arg9[%swap3A_729, %swap3A_730] {strides = array<i32>} : memref<4x128xi32, #tpu.memory_space<vmem>>, vector<1x16xi32>,
    %swap3A_732 = vector.shape_cast %swap3A_731 : vector<1x16xi32> to vector<16xi32>
    %swap3A_733 = vector.shape_cast %select_n3A_727 : vector<16xi32> to vector<1x16xi32>
    tpu.vector_store %arg9[%swap3A_729, %swap3A_730], %swap3A_733 {strides = array<i32>} : memref<4x128xi32, #tpu.memory_space<vmem>>, vector<1x16xi32>,
    %get3A_734 = arith.constant 272 : index
    %get3A_735 = tpu.vector_load %arg8[%get3A_734] {strides = array<i32>} : memref<512xi32, #tpu.memory_space<vmem>>, vector<16xi32>,
    %get3A_736 = vector.shape_cast %get3A_735 : vector<16xi32> to vector<16xi32>
    %shift_right_arithmetic3A_737 = arith.constant 7 : i32
    %shift_right_arithmetic3A_738 = vector.broadcast %shift_right_arithmetic3A_737 : i32 to vector<16xi32>
    %shift_right_arithmetic3A_739 = arith.shrsi %get3A_736, %shift_right_arithmetic3A_738 : vector<16xi32>
    %sub3A_740 = vector.broadcast %arg0 : i32 to vector<16xi32>
    %sub3A_741 = arith.subi %shift_right_arithmetic3A_739, %sub3A_740 : vector<16xi32>
    %mul3A_742 = arith.constant 65536 : i32
    %mul3A_743 = vector.broadcast %mul3A_742 : i32 to vector<16xi32>
    %mul3A_744 = arith.muli %sub3A_741, %mul3A_743 : vector<16xi32>
    %get3A_745 = arith.constant 272 : index
    %get3A_746 = tpu.vector_load %arg7[%get3A_745] {strides = array<i32>} : memref<512xi32, #tpu.memory_space<vmem>>, vector<16xi32>,
    %get3A_747 = vector.shape_cast %get3A_746 : vector<16xi32> to vector<16xi32>
    %mul3A_748 = arith.constant 128 : i32
    %mul3A_749 = vector.broadcast %mul3A_748 : i32 to vector<16xi32>
    %mul3A_750 = arith.muli %get3A_747, %mul3A_749 : vector<16xi32>
    %add3A_751 = arith.addi %mul3A_744, %mul3A_750 : vector<16xi32>
    %and3A_752 = arith.constant 127 : i32
    %and3A_753 = vector.broadcast %and3A_752 : i32 to vector<16xi32>
    %and3A_754 = arith.andi %get3A_736, %and3A_753 : vector<16xi32>
    %add3A_755 = arith.addi %add3A_751, %and3A_754 : vector<16xi32>
    %ge3A_756 = arith.constant 0 : i32
    %ge3A_757 = vector.broadcast %ge3A_756 : i32 to vector<16xi32>
    %ge3A_758 = arith.cmpi sge, %add3A_755, %ge3A_757 : vector<16xi32>
    %lt3A_759 = arith.constant 65536 : i32
    %lt3A_760 = vector.broadcast %lt3A_759 : i32 to vector<16xi32>
    %lt3A_761 = arith.cmpi slt, %add3A_755, %lt3A_760 : vector<16xi32>
    %and3A_762 = arith.andi %ge3A_758, %lt3A_761 : vector<16xi1>
    %jit3A_763 = arith.constant 65536 : i32
    %broadcast_in_dim3A_764 = vector.broadcast %jit3A_763 : i32 to vector<16xi32>
    %select_n3A_765 = arith.select %and3A_762, %add3A_755, %broadcast_in_dim3A_764 : vector<16xi1>, vector<16xi32>
    %swap3A_766 = arith.constant 2 : i32
    %swap3A_767 = arith.index_cast %swap3A_766 : i32 to index
    %swap3A_768 = arith.constant 16 : index
    %swap3A_769 = tpu.vector_load %arg9[%swap3A_767, %swap3A_768] {strides = array<i32>} : memref<4x128xi32, #tpu.memory_space<vmem>>, vector<1x16xi32>,
    %swap3A_770 = vector.shape_cast %swap3A_769 : vector<1x16xi32> to vector<16xi32>
    %swap3A_771 = vector.shape_cast %select_n3A_765 : vector<16xi32> to vector<1x16xi32>
    tpu.vector_store %arg9[%swap3A_767, %swap3A_768], %swap3A_771 {strides = array<i32>} : memref<4x128xi32, #tpu.memory_space<vmem>>, vector<1x16xi32>,
    %get3A_772 = arith.constant 288 : index
    %get3A_773 = tpu.vector_load %arg8[%get3A_772] {strides = array<i32>} : memref<512xi32, #tpu.memory_space<vmem>>, vector<16xi32>,
    %get3A_774 = vector.shape_cast %get3A_773 : vector<16xi32> to vector<16xi32>
    %shift_right_arithmetic3A_775 = arith.constant 7 : i32
    %shift_right_arithmetic3A_776 = vector.broadcast %shift_right_arithmetic3A_775 : i32 to vector<16xi32>
    %shift_right_arithmetic3A_777 = arith.shrsi %get3A_774, %shift_right_arithmetic3A_776 : vector<16xi32>
    %sub3A_778 = vector.broadcast %arg0 : i32 to vector<16xi32>
    %sub3A_779 = arith.subi %shift_right_arithmetic3A_777, %sub3A_778 : vector<16xi32>
    %mul3A_780 = arith.constant 65536 : i32
    %mul3A_781 = vector.broadcast %mul3A_780 : i32 to vector<16xi32>
    %mul3A_782 = arith.muli %sub3A_779, %mul3A_781 : vector<16xi32>
    %get3A_783 = arith.constant 288 : index
    %get3A_784 = tpu.vector_load %arg7[%get3A_783] {strides = array<i32>} : memref<512xi32, #tpu.memory_space<vmem>>, vector<16xi32>,
    %get3A_785 = vector.shape_cast %get3A_784 : vector<16xi32> to vector<16xi32>
    %mul3A_786 = arith.constant 128 : i32
    %mul3A_787 = vector.broadcast %mul3A_786 : i32 to vector<16xi32>
    %mul3A_788 = arith.muli %get3A_785, %mul3A_787 : vector<16xi32>
    %add3A_789 = arith.addi %mul3A_782, %mul3A_788 : vector<16xi32>
    %and3A_790 = arith.constant 127 : i32
    %and3A_791 = vector.broadcast %and3A_790 : i32 to vector<16xi32>
    %and3A_792 = arith.andi %get3A_774, %and3A_791 : vector<16xi32>
    %add3A_793 = arith.addi %add3A_789, %and3A_792 : vector<16xi32>
    %ge3A_794 = arith.constant 0 : i32
    %ge3A_795 = vector.broadcast %ge3A_794 : i32 to vector<16xi32>
    %ge3A_796 = arith.cmpi sge, %add3A_793, %ge3A_795 : vector<16xi32>
    %lt3A_797 = arith.constant 65536 : i32
    %lt3A_798 = vector.broadcast %lt3A_797 : i32 to vector<16xi32>
    %lt3A_799 = arith.cmpi slt, %add3A_793, %lt3A_798 : vector<16xi32>
    %and3A_800 = arith.andi %ge3A_796, %lt3A_799 : vector<16xi1>
    %jit3A_801 = arith.constant 65536 : i32
    %broadcast_in_dim3A_802 = vector.broadcast %jit3A_801 : i32 to vector<16xi32>
    %select_n3A_803 = arith.select %and3A_800, %add3A_793, %broadcast_in_dim3A_802 : vector<16xi1>, vector<16xi32>
    %swap3A_804 = arith.constant 2 : i32
    %swap3A_805 = arith.index_cast %swap3A_804 : i32 to index
    %swap3A_806 = arith.constant 32 : index
    %swap3A_807 = tpu.vector_load %arg9[%swap3A_805, %swap3A_806] {strides = array<i32>} : memref<4x128xi32, #tpu.memory_space<vmem>>, vector<1x16xi32>,
    %swap3A_808 = vector.shape_cast %swap3A_807 : vector<1x16xi32> to vector<16xi32>
    %swap3A_809 = vector.shape_cast %select_n3A_803 : vector<16xi32> to vector<1x16xi32>
    tpu.vector_store %arg9[%swap3A_805, %swap3A_806], %swap3A_809 {strides = array<i32>} : memref<4x128xi32, #tpu.memory_space<vmem>>, vector<1x16xi32>,
    %get3A_810 = arith.constant 304 : index
    %get3A_811 = tpu.vector_load %arg8[%get3A_810] {strides = array<i32>} : memref<512xi32, #tpu.memory_space<vmem>>, vector<16xi32>,
    %get3A_812 = vector.shape_cast %get3A_811 : vector<16xi32> to vector<16xi32>
    %shift_right_arithmetic3A_813 = arith.constant 7 : i32
    %shift_right_arithmetic3A_814 = vector.broadcast %shift_right_arithmetic3A_813 : i32 to vector<16xi32>
    %shift_right_arithmetic3A_815 = arith.shrsi %get3A_812, %shift_right_arithmetic3A_814 : vector<16xi32>
    %sub3A_816 = vector.broadcast %arg0 : i32 to vector<16xi32>
    %sub3A_817 = arith.subi %shift_right_arithmetic3A_815, %sub3A_816 : vector<16xi32>
    %mul3A_818 = arith.constant 65536 : i32
    %mul3A_819 = vector.broadcast %mul3A_818 : i32 to vector<16xi32>
    %mul3A_820 = arith.muli %sub3A_817, %mul3A_819 : vector<16xi32>
    %get3A_821 = arith.constant 304 : index
    %get3A_822 = tpu.vector_load %arg7[%get3A_821] {strides = array<i32>} : memref<512xi32, #tpu.memory_space<vmem>>, vector<16xi32>,
    %get3A_823 = vector.shape_cast %get3A_822 : vector<16xi32> to vector<16xi32>
    %mul3A_824 = arith.constant 128 : i32
    %mul3A_825 = vector.broadcast %mul3A_824 : i32 to vector<16xi32>
    %mul3A_826 = arith.muli %get3A_823, %mul3A_825 : vector<16xi32>
    %add3A_827 = arith.addi %mul3A_820, %mul3A_826 : vector<16xi32>
    %and3A_828 = arith.constant 127 : i32
    %and3A_829 = vector.broadcast %and3A_828 : i32 to vector<16xi32>
    %and3A_830 = arith.andi %get3A_812, %and3A_829 : vector<16xi32>
    %add3A_831 = arith.addi %add3A_827, %and3A_830 : vector<16xi32>
    %ge3A_832 = arith.constant 0 : i32
    %ge3A_833 = vector.broadcast %ge3A_832 : i32 to vector<16xi32>
    %ge3A_834 = arith.cmpi sge, %add3A_831, %ge3A_833 : vector<16xi32>
    %lt3A_835 = arith.constant 65536 : i32
    %lt3A_836 = vector.broadcast %lt3A_835 : i32 to vector<16xi32>
    %lt3A_837 = arith.cmpi slt, %add3A_831, %lt3A_836 : vector<16xi32>
    %and3A_838 = arith.andi %ge3A_834, %lt3A_837 : vector<16xi1>
    %jit3A_839 = arith.constant 65536 : i32
    %broadcast_in_dim3A_840 = vector.broadcast %jit3A_839 : i32 to vector<16xi32>
    %select_n3A_841 = arith.select %and3A_838, %add3A_831, %broadcast_in_dim3A_840 : vector<16xi1>, vector<16xi32>
    %swap3A_842 = arith.constant 2 : i32
    %swap3A_843 = arith.index_cast %swap3A_842 : i32 to index
    %swap3A_844 = arith.constant 48 : index
    %swap3A_845 = tpu.vector_load %arg9[%swap3A_843, %swap3A_844] {strides = array<i32>} : memref<4x128xi32, #tpu.memory_space<vmem>>, vector<1x16xi32>,
    %swap3A_846 = vector.shape_cast %swap3A_845 : vector<1x16xi32> to vector<16xi32>
    %swap3A_847 = vector.shape_cast %select_n3A_841 : vector<16xi32> to vector<1x16xi32>
    tpu.vector_store %arg9[%swap3A_843, %swap3A_844], %swap3A_847 {strides = array<i32>} : memref<4x128xi32, #tpu.memory_space<vmem>>, vector<1x16xi32>,
    %get3A_848 = arith.constant 320 : index
    %get3A_849 = tpu.vector_load %arg8[%get3A_848] {strides = array<i32>} : memref<512xi32, #tpu.memory_space<vmem>>, vector<16xi32>,
    %get3A_850 = vector.shape_cast %get3A_849 : vector<16xi32> to vector<16xi32>
    %shift_right_arithmetic3A_851 = arith.constant 7 : i32
    %shift_right_arithmetic3A_852 = vector.broadcast %shift_right_arithmetic3A_851 : i32 to vector<16xi32>
    %shift_right_arithmetic3A_853 = arith.shrsi %get3A_850, %shift_right_arithmetic3A_852 : vector<16xi32>
    %sub3A_854 = vector.broadcast %arg0 : i32 to vector<16xi32>
    %sub3A_855 = arith.subi %shift_right_arithmetic3A_853, %sub3A_854 : vector<16xi32>
    %mul3A_856 = arith.constant 65536 : i32
    %mul3A_857 = vector.broadcast %mul3A_856 : i32 to vector<16xi32>
    %mul3A_858 = arith.muli %sub3A_855, %mul3A_857 : vector<16xi32>
    %get3A_859 = arith.constant 320 : index
    %get3A_860 = tpu.vector_load %arg7[%get3A_859] {strides = array<i32>} : memref<512xi32, #tpu.memory_space<vmem>>, vector<16xi32>,
    %get3A_861 = vector.shape_cast %get3A_860 : vector<16xi32> to vector<16xi32>
    %mul3A_862 = arith.constant 128 : i32
    %mul3A_863 = vector.broadcast %mul3A_862 : i32 to vector<16xi32>
    %mul3A_864 = arith.muli %get3A_861, %mul3A_863 : vector<16xi32>
    %add3A_865 = arith.addi %mul3A_858, %mul3A_864 : vector<16xi32>
    %and3A_866 = arith.constant 127 : i32
    %and3A_867 = vector.broadcast %and3A_866 : i32 to vector<16xi32>
    %and3A_868 = arith.andi %get3A_850, %and3A_867 : vector<16xi32>
    %add3A_869 = arith.addi %add3A_865, %and3A_868 : vector<16xi32>
    %ge3A_870 = arith.constant 0 : i32
    %ge3A_871 = vector.broadcast %ge3A_870 : i32 to vector<16xi32>
    %ge3A_872 = arith.cmpi sge, %add3A_869, %ge3A_871 : vector<16xi32>
    %lt3A_873 = arith.constant 65536 : i32
    %lt3A_874 = vector.broadcast %lt3A_873 : i32 to vector<16xi32>
    %lt3A_875 = arith.cmpi slt, %add3A_869, %lt3A_874 : vector<16xi32>
    %and3A_876 = arith.andi %ge3A_872, %lt3A_875 : vector<16xi1>
    %jit3A_877 = arith.constant 65536 : i32
    %broadcast_in_dim3A_878 = vector.broadcast %jit3A_877 : i32 to vector<16xi32>
    %select_n3A_879 = arith.select %and3A_876, %add3A_869, %broadcast_in_dim3A_878 : vector<16xi1>, vector<16xi32>
    %swap3A_880 = arith.constant 2 : i32
    %swap3A_881 = arith.index_cast %swap3A_880 : i32 to index
    %swap3A_882 = arith.constant 64 : index
    %swap3A_883 = tpu.vector_load %arg9[%swap3A_881, %swap3A_882] {strides = array<i32>} : memref<4x128xi32, #tpu.memory_space<vmem>>, vector<1x16xi32>,
    %swap3A_884 = vector.shape_cast %swap3A_883 : vector<1x16xi32> to vector<16xi32>
    %swap3A_885 = vector.shape_cast %select_n3A_879 : vector<16xi32> to vector<1x16xi32>
    tpu.vector_store %arg9[%swap3A_881, %swap3A_882], %swap3A_885 {strides = array<i32>} : memref<4x128xi32, #tpu.memory_space<vmem>>, vector<1x16xi32>,
    %get3A_886 = arith.constant 336 : index
    %get3A_887 = tpu.vector_load %arg8[%get3A_886] {strides = array<i32>} : memref<512xi32, #tpu.memory_space<vmem>>, vector<16xi32>,
    %get3A_888 = vector.shape_cast %get3A_887 : vector<16xi32> to vector<16xi32>
    %shift_right_arithmetic3A_889 = arith.constant 7 : i32
    %shift_right_arithmetic3A_890 = vector.broadcast %shift_right_arithmetic3A_889 : i32 to vector<16xi32>
    %shift_right_arithmetic3A_891 = arith.shrsi %get3A_888, %shift_right_arithmetic3A_890 : vector<16xi32>
    %sub3A_892 = vector.broadcast %arg0 : i32 to vector<16xi32>
    %sub3A_893 = arith.subi %shift_right_arithmetic3A_891, %sub3A_892 : vector<16xi32>
    %mul3A_894 = arith.constant 65536 : i32
    %mul3A_895 = vector.broadcast %mul3A_894 : i32 to vector<16xi32>
    %mul3A_896 = arith.muli %sub3A_893, %mul3A_895 : vector<16xi32>
    %get3A_897 = arith.constant 336 : index
    %get3A_898 = tpu.vector_load %arg7[%get3A_897] {strides = array<i32>} : memref<512xi32, #tpu.memory_space<vmem>>, vector<16xi32>,
    %get3A_899 = vector.shape_cast %get3A_898 : vector<16xi32> to vector<16xi32>
    %mul3A_900 = arith.constant 128 : i32
    %mul3A_901 = vector.broadcast %mul3A_900 : i32 to vector<16xi32>
    %mul3A_902 = arith.muli %get3A_899, %mul3A_901 : vector<16xi32>
    %add3A_903 = arith.addi %mul3A_896, %mul3A_902 : vector<16xi32>
    %and3A_904 = arith.constant 127 : i32
    %and3A_905 = vector.broadcast %and3A_904 : i32 to vector<16xi32>
    %and3A_906 = arith.andi %get3A_888, %and3A_905 : vector<16xi32>
    %add3A_907 = arith.addi %add3A_903, %and3A_906 : vector<16xi32>
    %ge3A_908 = arith.constant 0 : i32
    %ge3A_909 = vector.broadcast %ge3A_908 : i32 to vector<16xi32>
    %ge3A_910 = arith.cmpi sge, %add3A_907, %ge3A_909 : vector<16xi32>
    %lt3A_911 = arith.constant 65536 : i32
    %lt3A_912 = vector.broadcast %lt3A_911 : i32 to vector<16xi32>
    %lt3A_913 = arith.cmpi slt, %add3A_907, %lt3A_912 : vector<16xi32>
    %and3A_914 = arith.andi %ge3A_910, %lt3A_913 : vector<16xi1>
    %jit3A_915 = arith.constant 65536 : i32
    %broadcast_in_dim3A_916 = vector.broadcast %jit3A_915 : i32 to vector<16xi32>
    %select_n3A_917 = arith.select %and3A_914, %add3A_907, %broadcast_in_dim3A_916 : vector<16xi1>, vector<16xi32>
    %swap3A_918 = arith.constant 2 : i32
    %swap3A_919 = arith.index_cast %swap3A_918 : i32 to index
    %swap3A_920 = arith.constant 80 : index
    %swap3A_921 = tpu.vector_load %arg9[%swap3A_919, %swap3A_920] {strides = array<i32>} : memref<4x128xi32, #tpu.memory_space<vmem>>, vector<1x16xi32>,
    %swap3A_922 = vector.shape_cast %swap3A_921 : vector<1x16xi32> to vector<16xi32>
    %swap3A_923 = vector.shape_cast %select_n3A_917 : vector<16xi32> to vector<1x16xi32>
    tpu.vector_store %arg9[%swap3A_919, %swap3A_920], %swap3A_923 {strides = array<i32>} : memref<4x128xi32, #tpu.memory_space<vmem>>, vector<1x16xi32>,
    %get3A_924 = arith.constant 352 : index
    %get3A_925 = tpu.vector_load %arg8[%get3A_924] {strides = array<i32>} : memref<512xi32, #tpu.memory_space<vmem>>, vector<16xi32>,
    %get3A_926 = vector.shape_cast %get3A_925 : vector<16xi32> to vector<16xi32>
    %shift_right_arithmetic3A_927 = arith.constant 7 : i32
    %shift_right_arithmetic3A_928 = vector.broadcast %shift_right_arithmetic3A_927 : i32 to vector<16xi32>
    %shift_right_arithmetic3A_929 = arith.shrsi %get3A_926, %shift_right_arithmetic3A_928 : vector<16xi32>
    %sub3A_930 = vector.broadcast %arg0 : i32 to vector<16xi32>
    %sub3A_931 = arith.subi %shift_right_arithmetic3A_929, %sub3A_930 : vector<16xi32>
    %mul3A_932 = arith.constant 65536 : i32
    %mul3A_933 = vector.broadcast %mul3A_932 : i32 to vector<16xi32>
    %mul3A_934 = arith.muli %sub3A_931, %mul3A_933 : vector<16xi32>
    %get3A_935 = arith.constant 352 : index
    %get3A_936 = tpu.vector_load %arg7[%get3A_935] {strides = array<i32>} : memref<512xi32, #tpu.memory_space<vmem>>, vector<16xi32>,
    %get3A_937 = vector.shape_cast %get3A_936 : vector<16xi32> to vector<16xi32>
    %mul3A_938 = arith.constant 128 : i32
    %mul3A_939 = vector.broadcast %mul3A_938 : i32 to vector<16xi32>
    %mul3A_940 = arith.muli %get3A_937, %mul3A_939 : vector<16xi32>
    %add3A_941 = arith.addi %mul3A_934, %mul3A_940 : vector<16xi32>
    %and3A_942 = arith.constant 127 : i32
    %and3A_943 = vector.broadcast %and3A_942 : i32 to vector<16xi32>
    %and3A_944 = arith.andi %get3A_926, %and3A_943 : vector<16xi32>
    %add3A_945 = arith.addi %add3A_941, %and3A_944 : vector<16xi32>
    %ge3A_946 = arith.constant 0 : i32
    %ge3A_947 = vector.broadcast %ge3A_946 : i32 to vector<16xi32>
    %ge3A_948 = arith.cmpi sge, %add3A_945, %ge3A_947 : vector<16xi32>
    %lt3A_949 = arith.constant 65536 : i32
    %lt3A_950 = vector.broadcast %lt3A_949 : i32 to vector<16xi32>
    %lt3A_951 = arith.cmpi slt, %add3A_945, %lt3A_950 : vector<16xi32>
    %and3A_952 = arith.andi %ge3A_948, %lt3A_951 : vector<16xi1>
    %jit3A_953 = arith.constant 65536 : i32
    %broadcast_in_dim3A_954 = vector.broadcast %jit3A_953 : i32 to vector<16xi32>
    %select_n3A_955 = arith.select %and3A_952, %add3A_945, %broadcast_in_dim3A_954 : vector<16xi1>, vector<16xi32>
    %swap3A_956 = arith.constant 2 : i32
    %swap3A_957 = arith.index_cast %swap3A_956 : i32 to index
    %swap3A_958 = arith.constant 96 : index
    %swap3A_959 = tpu.vector_load %arg9[%swap3A_957, %swap3A_958] {strides = array<i32>} : memref<4x128xi32, #tpu.memory_space<vmem>>, vector<1x16xi32>,
    %swap3A_960 = vector.shape_cast %swap3A_959 : vector<1x16xi32> to vector<16xi32>
    %swap3A_961 = vector.shape_cast %select_n3A_955 : vector<16xi32> to vector<1x16xi32>
    tpu.vector_store %arg9[%swap3A_957, %swap3A_958], %swap3A_961 {strides = array<i32>} : memref<4x128xi32, #tpu.memory_space<vmem>>, vector<1x16xi32>,
    %get3A_962 = arith.constant 368 : index
    %get3A_963 = tpu.vector_load %arg8[%get3A_962] {strides = array<i32>} : memref<512xi32, #tpu.memory_space<vmem>>, vector<16xi32>,
    %get3A_964 = vector.shape_cast %get3A_963 : vector<16xi32> to vector<16xi32>
    %shift_right_arithmetic3A_965 = arith.constant 7 : i32
    %shift_right_arithmetic3A_966 = vector.broadcast %shift_right_arithmetic3A_965 : i32 to vector<16xi32>
    %shift_right_arithmetic3A_967 = arith.shrsi %get3A_964, %shift_right_arithmetic3A_966 : vector<16xi32>
    %sub3A_968 = vector.broadcast %arg0 : i32 to vector<16xi32>
    %sub3A_969 = arith.subi %shift_right_arithmetic3A_967, %sub3A_968 : vector<16xi32>
    %mul3A_970 = arith.constant 65536 : i32
    %mul3A_971 = vector.broadcast %mul3A_970 : i32 to vector<16xi32>
    %mul3A_972 = arith.muli %sub3A_969, %mul3A_971 : vector<16xi32>
    %get3A_973 = arith.constant 368 : index
    %get3A_974 = tpu.vector_load %arg7[%get3A_973] {strides = array<i32>} : memref<512xi32, #tpu.memory_space<vmem>>, vector<16xi32>,
    %get3A_975 = vector.shape_cast %get3A_974 : vector<16xi32> to vector<16xi32>
    %mul3A_976 = arith.constant 128 : i32
    %mul3A_977 = vector.broadcast %mul3A_976 : i32 to vector<16xi32>
    %mul3A_978 = arith.muli %get3A_975, %mul3A_977 : vector<16xi32>
    %add3A_979 = arith.addi %mul3A_972, %mul3A_978 : vector<16xi32>
    %and3A_980 = arith.constant 127 : i32
    %and3A_981 = vector.broadcast %and3A_980 : i32 to vector<16xi32>
    %and3A_982 = arith.andi %get3A_964, %and3A_981 : vector<16xi32>
    %add3A_983 = arith.addi %add3A_979, %and3A_982 : vector<16xi32>
    %ge3A_984 = arith.constant 0 : i32
    %ge3A_985 = vector.broadcast %ge3A_984 : i32 to vector<16xi32>
    %ge3A_986 = arith.cmpi sge, %add3A_983, %ge3A_985 : vector<16xi32>
    %lt3A_987 = arith.constant 65536 : i32
    %lt3A_988 = vector.broadcast %lt3A_987 : i32 to vector<16xi32>
    %lt3A_989 = arith.cmpi slt, %add3A_983, %lt3A_988 : vector<16xi32>
    %and3A_990 = arith.andi %ge3A_986, %lt3A_989 : vector<16xi1>
    %jit3A_991 = arith.constant 65536 : i32
    %broadcast_in_dim3A_992 = vector.broadcast %jit3A_991 : i32 to vector<16xi32>
    %select_n3A_993 = arith.select %and3A_990, %add3A_983, %broadcast_in_dim3A_992 : vector<16xi1>, vector<16xi32>
    %swap3A_994 = arith.constant 2 : i32
    %swap3A_995 = arith.index_cast %swap3A_994 : i32 to index
    %swap3A_996 = arith.constant 112 : index
    %swap3A_997 = tpu.vector_load %arg9[%swap3A_995, %swap3A_996] {strides = array<i32>} : memref<4x128xi32, #tpu.memory_space<vmem>>, vector<1x16xi32>,
    %swap3A_998 = vector.shape_cast %swap3A_997 : vector<1x16xi32> to vector<16xi32>
    %swap3A_999 = vector.shape_cast %select_n3A_993 : vector<16xi32> to vector<1x16xi32>
    tpu.vector_store %arg9[%swap3A_995, %swap3A_996], %swap3A_999 {strides = array<i32>} : memref<4x128xi32, #tpu.memory_space<vmem>>, vector<1x16xi32>,
    %get3A_1000 = arith.constant 384 : index
    %get3A_1001 = tpu.vector_load %arg8[%get3A_1000] {strides = array<i32>} : memref<512xi32, #tpu.memory_space<vmem>>, vector<16xi32>,
    %get3A_1002 = vector.shape_cast %get3A_1001 : vector<16xi32> to vector<16xi32>
    %shift_right_arithmetic3A_1003 = arith.constant 7 : i32
    %shift_right_arithmetic3A_1004 = vector.broadcast %shift_right_arithmetic3A_1003 : i32 to vector<16xi32>
    %shift_right_arithmetic3A_1005 = arith.shrsi %get3A_1002, %shift_right_arithmetic3A_1004 : vector<16xi32>
    %sub3A_1006 = vector.broadcast %arg0 : i32 to vector<16xi32>
    %sub3A_1007 = arith.subi %shift_right_arithmetic3A_1005, %sub3A_1006 : vector<16xi32>
    %mul3A_1008 = arith.constant 65536 : i32
    %mul3A_1009 = vector.broadcast %mul3A_1008 : i32 to vector<16xi32>
    %mul3A_1010 = arith.muli %sub3A_1007, %mul3A_1009 : vector<16xi32>
    %get3A_1011 = arith.constant 384 : index
    %get3A_1012 = tpu.vector_load %arg7[%get3A_1011] {strides = array<i32>} : memref<512xi32, #tpu.memory_space<vmem>>, vector<16xi32>,
    %get3A_1013 = vector.shape_cast %get3A_1012 : vector<16xi32> to vector<16xi32>
    %mul3A_1014 = arith.constant 128 : i32
    %mul3A_1015 = vector.broadcast %mul3A_1014 : i32 to vector<16xi32>
    %mul3A_1016 = arith.muli %get3A_1013, %mul3A_1015 : vector<16xi32>
    %add3A_1017 = arith.addi %mul3A_1010, %mul3A_1016 : vector<16xi32>
    %and3A_1018 = arith.constant 127 : i32
    %and3A_1019 = vector.broadcast %and3A_1018 : i32 to vector<16xi32>
    %and3A_1020 = arith.andi %get3A_1002, %and3A_1019 : vector<16xi32>
    %add3A_1021 = arith.addi %add3A_1017, %and3A_1020 : vector<16xi32>
    %ge3A_1022 = arith.constant 0 : i32
    %ge3A_1023 = vector.broadcast %ge3A_1022 : i32 to vector<16xi32>
    %ge3A_1024 = arith.cmpi sge, %add3A_1021, %ge3A_1023 : vector<16xi32>
    %lt3A_1025 = arith.constant 65536 : i32
    %lt3A_1026 = vector.broadcast %lt3A_1025 : i32 to vector<16xi32>
    %lt3A_1027 = arith.cmpi slt, %add3A_1021, %lt3A_1026 : vector<16xi32>
    %and3A_1028 = arith.andi %ge3A_1024, %lt3A_1027 : vector<16xi1>
    %jit3A_1029 = arith.constant 65536 : i32
    %broadcast_in_dim3A_1030 = vector.broadcast %jit3A_1029 : i32 to vector<16xi32>
    %select_n3A_1031 = arith.select %and3A_1028, %add3A_1021, %broadcast_in_dim3A_1030 : vector<16xi1>, vector<16xi32>
    %swap3A_1032 = arith.constant 3 : i32
    %swap3A_1033 = arith.index_cast %swap3A_1032 : i32 to index
    %swap3A_1034 = arith.constant 0 : index
    %swap3A_1035 = tpu.vector_load %arg9[%swap3A_1033, %swap3A_1034] {strides = array<i32>} : memref<4x128xi32, #tpu.memory_space<vmem>>, vector<1x16xi32>,
    %swap3A_1036 = vector.shape_cast %swap3A_1035 : vector<1x16xi32> to vector<16xi32>
    %swap3A_1037 = vector.shape_cast %select_n3A_1031 : vector<16xi32> to vector<1x16xi32>
    tpu.vector_store %arg9[%swap3A_1033, %swap3A_1034], %swap3A_1037 {strides = array<i32>} : memref<4x128xi32, #tpu.memory_space<vmem>>, vector<1x16xi32>,
    %get3A_1038 = arith.constant 400 : index
    %get3A_1039 = tpu.vector_load %arg8[%get3A_1038] {strides = array<i32>} : memref<512xi32, #tpu.memory_space<vmem>>, vector<16xi32>,
    %get3A_1040 = vector.shape_cast %get3A_1039 : vector<16xi32> to vector<16xi32>
    %shift_right_arithmetic3A_1041 = arith.constant 7 : i32
    %shift_right_arithmetic3A_1042 = vector.broadcast %shift_right_arithmetic3A_1041 : i32 to vector<16xi32>
    %shift_right_arithmetic3A_1043 = arith.shrsi %get3A_1040, %shift_right_arithmetic3A_1042 : vector<16xi32>
    %sub3A_1044 = vector.broadcast %arg0 : i32 to vector<16xi32>
    %sub3A_1045 = arith.subi %shift_right_arithmetic3A_1043, %sub3A_1044 : vector<16xi32>
    %mul3A_1046 = arith.constant 65536 : i32
    %mul3A_1047 = vector.broadcast %mul3A_1046 : i32 to vector<16xi32>
    %mul3A_1048 = arith.muli %sub3A_1045, %mul3A_1047 : vector<16xi32>
    %get3A_1049 = arith.constant 400 : index
    %get3A_1050 = tpu.vector_load %arg7[%get3A_1049] {strides = array<i32>} : memref<512xi32, #tpu.memory_space<vmem>>, vector<16xi32>,
    %get3A_1051 = vector.shape_cast %get3A_1050 : vector<16xi32> to vector<16xi32>
    %mul3A_1052 = arith.constant 128 : i32
    %mul3A_1053 = vector.broadcast %mul3A_1052 : i32 to vector<16xi32>
    %mul3A_1054 = arith.muli %get3A_1051, %mul3A_1053 : vector<16xi32>
    %add3A_1055 = arith.addi %mul3A_1048, %mul3A_1054 : vector<16xi32>
    %and3A_1056 = arith.constant 127 : i32
    %and3A_1057 = vector.broadcast %and3A_1056 : i32 to vector<16xi32>
    %and3A_1058 = arith.andi %get3A_1040, %and3A_1057 : vector<16xi32>
    %add3A_1059 = arith.addi %add3A_1055, %and3A_1058 : vector<16xi32>
    %ge3A_1060 = arith.constant 0 : i32
    %ge3A_1061 = vector.broadcast %ge3A_1060 : i32 to vector<16xi32>
    %ge3A_1062 = arith.cmpi sge, %add3A_1059, %ge3A_1061 : vector<16xi32>
    %lt3A_1063 = arith.constant 65536 : i32
    %lt3A_1064 = vector.broadcast %lt3A_1063 : i32 to vector<16xi32>
    %lt3A_1065 = arith.cmpi slt, %add3A_1059, %lt3A_1064 : vector<16xi32>
    %and3A_1066 = arith.andi %ge3A_1062, %lt3A_1065 : vector<16xi1>
    %jit3A_1067 = arith.constant 65536 : i32
    %broadcast_in_dim3A_1068 = vector.broadcast %jit3A_1067 : i32 to vector<16xi32>
    %select_n3A_1069 = arith.select %and3A_1066, %add3A_1059, %broadcast_in_dim3A_1068 : vector<16xi1>, vector<16xi32>
    %swap3A_1070 = arith.constant 3 : i32
    %swap3A_1071 = arith.index_cast %swap3A_1070 : i32 to index
    %swap3A_1072 = arith.constant 16 : index
    %swap3A_1073 = tpu.vector_load %arg9[%swap3A_1071, %swap3A_1072] {strides = array<i32>} : memref<4x128xi32, #tpu.memory_space<vmem>>, vector<1x16xi32>,
    %swap3A_1074 = vector.shape_cast %swap3A_1073 : vector<1x16xi32> to vector<16xi32>
    %swap3A_1075 = vector.shape_cast %select_n3A_1069 : vector<16xi32> to vector<1x16xi32>
    tpu.vector_store %arg9[%swap3A_1071, %swap3A_1072], %swap3A_1075 {strides = array<i32>} : memref<4x128xi32, #tpu.memory_space<vmem>>, vector<1x16xi32>,
    %get3A_1076 = arith.constant 416 : index
    %get3A_1077 = tpu.vector_load %arg8[%get3A_1076] {strides = array<i32>} : memref<512xi32, #tpu.memory_space<vmem>>, vector<16xi32>,
    %get3A_1078 = vector.shape_cast %get3A_1077 : vector<16xi32> to vector<16xi32>
    %shift_right_arithmetic3A_1079 = arith.constant 7 : i32
    %shift_right_arithmetic3A_1080 = vector.broadcast %shift_right_arithmetic3A_1079 : i32 to vector<16xi32>
    %shift_right_arithmetic3A_1081 = arith.shrsi %get3A_1078, %shift_right_arithmetic3A_1080 : vector<16xi32>
    %sub3A_1082 = vector.broadcast %arg0 : i32 to vector<16xi32>
    %sub3A_1083 = arith.subi %shift_right_arithmetic3A_1081, %sub3A_1082 : vector<16xi32>
    %mul3A_1084 = arith.constant 65536 : i32
    %mul3A_1085 = vector.broadcast %mul3A_1084 : i32 to vector<16xi32>
    %mul3A_1086 = arith.muli %sub3A_1083, %mul3A_1085 : vector<16xi32>
    %get3A_1087 = arith.constant 416 : index
    %get3A_1088 = tpu.vector_load %arg7[%get3A_1087] {strides = array<i32>} : memref<512xi32, #tpu.memory_space<vmem>>, vector<16xi32>,
    %get3A_1089 = vector.shape_cast %get3A_1088 : vector<16xi32> to vector<16xi32>
    %mul3A_1090 = arith.constant 128 : i32
    %mul3A_1091 = vector.broadcast %mul3A_1090 : i32 to vector<16xi32>
    %mul3A_1092 = arith.muli %get3A_1089, %mul3A_1091 : vector<16xi32>
    %add3A_1093 = arith.addi %mul3A_1086, %mul3A_1092 : vector<16xi32>
    %and3A_1094 = arith.constant 127 : i32
    %and3A_1095 = vector.broadcast %and3A_1094 : i32 to vector<16xi32>
    %and3A_1096 = arith.andi %get3A_1078, %and3A_1095 : vector<16xi32>
    %add3A_1097 = arith.addi %add3A_1093, %and3A_1096 : vector<16xi32>
    %ge3A_1098 = arith.constant 0 : i32
    %ge3A_1099 = vector.broadcast %ge3A_1098 : i32 to vector<16xi32>
    %ge3A_1100 = arith.cmpi sge, %add3A_1097, %ge3A_1099 : vector<16xi32>
    %lt3A_1101 = arith.constant 65536 : i32
    %lt3A_1102 = vector.broadcast %lt3A_1101 : i32 to vector<16xi32>
    %lt3A_1103 = arith.cmpi slt, %add3A_1097, %lt3A_1102 : vector<16xi32>
    %and3A_1104 = arith.andi %ge3A_1100, %lt3A_1103 : vector<16xi1>
    %jit3A_1105 = arith.constant 65536 : i32
    %broadcast_in_dim3A_1106 = vector.broadcast %jit3A_1105 : i32 to vector<16xi32>
    %select_n3A_1107 = arith.select %and3A_1104, %add3A_1097, %broadcast_in_dim3A_1106 : vector<16xi1>, vector<16xi32>
    %swap3A_1108 = arith.constant 3 : i32
    %swap3A_1109 = arith.index_cast %swap3A_1108 : i32 to index
    %swap3A_1110 = arith.constant 32 : index
    %swap3A_1111 = tpu.vector_load %arg9[%swap3A_1109, %swap3A_1110] {strides = array<i32>} : memref<4x128xi32, #tpu.memory_space<vmem>>, vector<1x16xi32>,
    %swap3A_1112 = vector.shape_cast %swap3A_1111 : vector<1x16xi32> to vector<16xi32>
    %swap3A_1113 = vector.shape_cast %select_n3A_1107 : vector<16xi32> to vector<1x16xi32>
    tpu.vector_store %arg9[%swap3A_1109, %swap3A_1110], %swap3A_1113 {strides = array<i32>} : memref<4x128xi32, #tpu.memory_space<vmem>>, vector<1x16xi32>,
    %get3A_1114 = arith.constant 432 : index
    %get3A_1115 = tpu.vector_load %arg8[%get3A_1114] {strides = array<i32>} : memref<512xi32, #tpu.memory_space<vmem>>, vector<16xi32>,
    %get3A_1116 = vector.shape_cast %get3A_1115 : vector<16xi32> to vector<16xi32>
    %shift_right_arithmetic3A_1117 = arith.constant 7 : i32
    %shift_right_arithmetic3A_1118 = vector.broadcast %shift_right_arithmetic3A_1117 : i32 to vector<16xi32>
    %shift_right_arithmetic3A_1119 = arith.shrsi %get3A_1116, %shift_right_arithmetic3A_1118 : vector<16xi32>
    %sub3A_1120 = vector.broadcast %arg0 : i32 to vector<16xi32>
    %sub3A_1121 = arith.subi %shift_right_arithmetic3A_1119, %sub3A_1120 : vector<16xi32>
    %mul3A_1122 = arith.constant 65536 : i32
    %mul3A_1123 = vector.broadcast %mul3A_1122 : i32 to vector<16xi32>
    %mul3A_1124 = arith.muli %sub3A_1121, %mul3A_1123 : vector<16xi32>
    %get3A_1125 = arith.constant 432 : index
    %get3A_1126 = tpu.vector_load %arg7[%get3A_1125] {strides = array<i32>} : memref<512xi32, #tpu.memory_space<vmem>>, vector<16xi32>,
    %get3A_1127 = vector.shape_cast %get3A_1126 : vector<16xi32> to vector<16xi32>
    %mul3A_1128 = arith.constant 128 : i32
    %mul3A_1129 = vector.broadcast %mul3A_1128 : i32 to vector<16xi32>
    %mul3A_1130 = arith.muli %get3A_1127, %mul3A_1129 : vector<16xi32>
    %add3A_1131 = arith.addi %mul3A_1124, %mul3A_1130 : vector<16xi32>
    %and3A_1132 = arith.constant 127 : i32
    %and3A_1133 = vector.broadcast %and3A_1132 : i32 to vector<16xi32>
    %and3A_1134 = arith.andi %get3A_1116, %and3A_1133 : vector<16xi32>
    %add3A_1135 = arith.addi %add3A_1131, %and3A_1134 : vector<16xi32>
    %ge3A_1136 = arith.constant 0 : i32
    %ge3A_1137 = vector.broadcast %ge3A_1136 : i32 to vector<16xi32>
    %ge3A_1138 = arith.cmpi sge, %add3A_1135, %ge3A_1137 : vector<16xi32>
    %lt3A_1139 = arith.constant 65536 : i32
    %lt3A_1140 = vector.broadcast %lt3A_1139 : i32 to vector<16xi32>
    %lt3A_1141 = arith.cmpi slt, %add3A_1135, %lt3A_1140 : vector<16xi32>
    %and3A_1142 = arith.andi %ge3A_1138, %lt3A_1141 : vector<16xi1>
    %jit3A_1143 = arith.constant 65536 : i32
    %broadcast_in_dim3A_1144 = vector.broadcast %jit3A_1143 : i32 to vector<16xi32>
    %select_n3A_1145 = arith.select %and3A_1142, %add3A_1135, %broadcast_in_dim3A_1144 : vector<16xi1>, vector<16xi32>
    %swap3A_1146 = arith.constant 3 : i32
    %swap3A_1147 = arith.index_cast %swap3A_1146 : i32 to index
    %swap3A_1148 = arith.constant 48 : index
    %swap3A_1149 = tpu.vector_load %arg9[%swap3A_1147, %swap3A_1148] {strides = array<i32>} : memref<4x128xi32, #tpu.memory_space<vmem>>, vector<1x16xi32>,
    %swap3A_1150 = vector.shape_cast %swap3A_1149 : vector<1x16xi32> to vector<16xi32>
    %swap3A_1151 = vector.shape_cast %select_n3A_1145 : vector<16xi32> to vector<1x16xi32>
    tpu.vector_store %arg9[%swap3A_1147, %swap3A_1148], %swap3A_1151 {strides = array<i32>} : memref<4x128xi32, #tpu.memory_space<vmem>>, vector<1x16xi32>,
    %get3A_1152 = arith.constant 448 : index
    %get3A_1153 = tpu.vector_load %arg8[%get3A_1152] {strides = array<i32>} : memref<512xi32, #tpu.memory_space<vmem>>, vector<16xi32>,
    %get3A_1154 = vector.shape_cast %get3A_1153 : vector<16xi32> to vector<16xi32>
    %shift_right_arithmetic3A_1155 = arith.constant 7 : i32
    %shift_right_arithmetic3A_1156 = vector.broadcast %shift_right_arithmetic3A_1155 : i32 to vector<16xi32>
    %shift_right_arithmetic3A_1157 = arith.shrsi %get3A_1154, %shift_right_arithmetic3A_1156 : vector<16xi32>
    %sub3A_1158 = vector.broadcast %arg0 : i32 to vector<16xi32>
    %sub3A_1159 = arith.subi %shift_right_arithmetic3A_1157, %sub3A_1158 : vector<16xi32>
    %mul3A_1160 = arith.constant 65536 : i32
    %mul3A_1161 = vector.broadcast %mul3A_1160 : i32 to vector<16xi32>
    %mul3A_1162 = arith.muli %sub3A_1159, %mul3A_1161 : vector<16xi32>
    %get3A_1163 = arith.constant 448 : index
    %get3A_1164 = tpu.vector_load %arg7[%get3A_1163] {strides = array<i32>} : memref<512xi32, #tpu.memory_space<vmem>>, vector<16xi32>,
    %get3A_1165 = vector.shape_cast %get3A_1164 : vector<16xi32> to vector<16xi32>
    %mul3A_1166 = arith.constant 128 : i32
    %mul3A_1167 = vector.broadcast %mul3A_1166 : i32 to vector<16xi32>
    %mul3A_1168 = arith.muli %get3A_1165, %mul3A_1167 : vector<16xi32>
    %add3A_1169 = arith.addi %mul3A_1162, %mul3A_1168 : vector<16xi32>
    %and3A_1170 = arith.constant 127 : i32
    %and3A_1171 = vector.broadcast %and3A_1170 : i32 to vector<16xi32>
    %and3A_1172 = arith.andi %get3A_1154, %and3A_1171 : vector<16xi32>
    %add3A_1173 = arith.addi %add3A_1169, %and3A_1172 : vector<16xi32>
    %ge3A_1174 = arith.constant 0 : i32
    %ge3A_1175 = vector.broadcast %ge3A_1174 : i32 to vector<16xi32>
    %ge3A_1176 = arith.cmpi sge, %add3A_1173, %ge3A_1175 : vector<16xi32>
    %lt3A_1177 = arith.constant 65536 : i32
    %lt3A_1178 = vector.broadcast %lt3A_1177 : i32 to vector<16xi32>
    %lt3A_1179 = arith.cmpi slt, %add3A_1173, %lt3A_1178 : vector<16xi32>
    %and3A_1180 = arith.andi %ge3A_1176, %lt3A_1179 : vector<16xi1>
    %jit3A_1181 = arith.constant 65536 : i32
    %broadcast_in_dim3A_1182 = vector.broadcast %jit3A_1181 : i32 to vector<16xi32>
    %select_n3A_1183 = arith.select %and3A_1180, %add3A_1173, %broadcast_in_dim3A_1182 : vector<16xi1>, vector<16xi32>
    %swap3A_1184 = arith.constant 3 : i32
    %swap3A_1185 = arith.index_cast %swap3A_1184 : i32 to index
    %swap3A_1186 = arith.constant 64 : index
    %swap3A_1187 = tpu.vector_load %arg9[%swap3A_1185, %swap3A_1186] {strides = array<i32>} : memref<4x128xi32, #tpu.memory_space<vmem>>, vector<1x16xi32>,
    %swap3A_1188 = vector.shape_cast %swap3A_1187 : vector<1x16xi32> to vector<16xi32>
    %swap3A_1189 = vector.shape_cast %select_n3A_1183 : vector<16xi32> to vector<1x16xi32>
    tpu.vector_store %arg9[%swap3A_1185, %swap3A_1186], %swap3A_1189 {strides = array<i32>} : memref<4x128xi32, #tpu.memory_space<vmem>>, vector<1x16xi32>,
    %get3A_1190 = arith.constant 464 : index
    %get3A_1191 = tpu.vector_load %arg8[%get3A_1190] {strides = array<i32>} : memref<512xi32, #tpu.memory_space<vmem>>, vector<16xi32>,
    %get3A_1192 = vector.shape_cast %get3A_1191 : vector<16xi32> to vector<16xi32>
    %shift_right_arithmetic3A_1193 = arith.constant 7 : i32
    %shift_right_arithmetic3A_1194 = vector.broadcast %shift_right_arithmetic3A_1193 : i32 to vector<16xi32>
    %shift_right_arithmetic3A_1195 = arith.shrsi %get3A_1192, %shift_right_arithmetic3A_1194 : vector<16xi32>
    %sub3A_1196 = vector.broadcast %arg0 : i32 to vector<16xi32>
    %sub3A_1197 = arith.subi %shift_right_arithmetic3A_1195, %sub3A_1196 : vector<16xi32>
    %mul3A_1198 = arith.constant 65536 : i32
    %mul3A_1199 = vector.broadcast %mul3A_1198 : i32 to vector<16xi32>
    %mul3A_1200 = arith.muli %sub3A_1197, %mul3A_1199 : vector<16xi32>
    %get3A_1201 = arith.constant 464 : index
    %get3A_1202 = tpu.vector_load %arg7[%get3A_1201] {strides = array<i32>} : memref<512xi32, #tpu.memory_space<vmem>>, vector<16xi32>,
    %get3A_1203 = vector.shape_cast %get3A_1202 : vector<16xi32> to vector<16xi32>
    %mul3A_1204 = arith.constant 128 : i32
    %mul3A_1205 = vector.broadcast %mul3A_1204 : i32 to vector<16xi32>
    %mul3A_1206 = arith.muli %get3A_1203, %mul3A_1205 : vector<16xi32>
    %add3A_1207 = arith.addi %mul3A_1200, %mul3A_1206 : vector<16xi32>
    %and3A_1208 = arith.constant 127 : i32
    %and3A_1209 = vector.broadcast %and3A_1208 : i32 to vector<16xi32>
    %and3A_1210 = arith.andi %get3A_1192, %and3A_1209 : vector<16xi32>
    %add3A_1211 = arith.addi %add3A_1207, %and3A_1210 : vector<16xi32>
    %ge3A_1212 = arith.constant 0 : i32
    %ge3A_1213 = vector.broadcast %ge3A_1212 : i32 to vector<16xi32>
    %ge3A_1214 = arith.cmpi sge, %add3A_1211, %ge3A_1213 : vector<16xi32>
    %lt3A_1215 = arith.constant 65536 : i32
    %lt3A_1216 = vector.broadcast %lt3A_1215 : i32 to vector<16xi32>
    %lt3A_1217 = arith.cmpi slt, %add3A_1211, %lt3A_1216 : vector<16xi32>
    %and3A_1218 = arith.andi %ge3A_1214, %lt3A_1217 : vector<16xi1>
    %jit3A_1219 = arith.constant 65536 : i32
    %broadcast_in_dim3A_1220 = vector.broadcast %jit3A_1219 : i32 to vector<16xi32>
    %select_n3A_1221 = arith.select %and3A_1218, %add3A_1211, %broadcast_in_dim3A_1220 : vector<16xi1>, vector<16xi32>
    %swap3A_1222 = arith.constant 3 : i32
    %swap3A_1223 = arith.index_cast %swap3A_1222 : i32 to index
    %swap3A_1224 = arith.constant 80 : index
    %swap3A_1225 = tpu.vector_load %arg9[%swap3A_1223, %swap3A_1224] {strides = array<i32>} : memref<4x128xi32, #tpu.memory_space<vmem>>, vector<1x16xi32>,
    %swap3A_1226 = vector.shape_cast %swap3A_1225 : vector<1x16xi32> to vector<16xi32>
    %swap3A_1227 = vector.shape_cast %select_n3A_1221 : vector<16xi32> to vector<1x16xi32>
    tpu.vector_store %arg9[%swap3A_1223, %swap3A_1224], %swap3A_1227 {strides = array<i32>} : memref<4x128xi32, #tpu.memory_space<vmem>>, vector<1x16xi32>,
    %get3A_1228 = arith.constant 480 : index
    %get3A_1229 = tpu.vector_load %arg8[%get3A_1228] {strides = array<i32>} : memref<512xi32, #tpu.memory_space<vmem>>, vector<16xi32>,
    %get3A_1230 = vector.shape_cast %get3A_1229 : vector<16xi32> to vector<16xi32>
    %shift_right_arithmetic3A_1231 = arith.constant 7 : i32
    %shift_right_arithmetic3A_1232 = vector.broadcast %shift_right_arithmetic3A_1231 : i32 to vector<16xi32>
    %shift_right_arithmetic3A_1233 = arith.shrsi %get3A_1230, %shift_right_arithmetic3A_1232 : vector<16xi32>
    %sub3A_1234 = vector.broadcast %arg0 : i32 to vector<16xi32>
    %sub3A_1235 = arith.subi %shift_right_arithmetic3A_1233, %sub3A_1234 : vector<16xi32>
    %mul3A_1236 = arith.constant 65536 : i32
    %mul3A_1237 = vector.broadcast %mul3A_1236 : i32 to vector<16xi32>
    %mul3A_1238 = arith.muli %sub3A_1235, %mul3A_1237 : vector<16xi32>
    %get3A_1239 = arith.constant 480 : index
    %get3A_1240 = tpu.vector_load %arg7[%get3A_1239] {strides = array<i32>} : memref<512xi32, #tpu.memory_space<vmem>>, vector<16xi32>,
    %get3A_1241 = vector.shape_cast %get3A_1240 : vector<16xi32> to vector<16xi32>
    %mul3A_1242 = arith.constant 128 : i32
    %mul3A_1243 = vector.broadcast %mul3A_1242 : i32 to vector<16xi32>
    %mul3A_1244 = arith.muli %get3A_1241, %mul3A_1243 : vector<16xi32>
    %add3A_1245 = arith.addi %mul3A_1238, %mul3A_1244 : vector<16xi32>
    %and3A_1246 = arith.constant 127 : i32
    %and3A_1247 = vector.broadcast %and3A_1246 : i32 to vector<16xi32>
    %and3A_1248 = arith.andi %get3A_1230, %and3A_1247 : vector<16xi32>
    %add3A_1249 = arith.addi %add3A_1245, %and3A_1248 : vector<16xi32>
    %ge3A_1250 = arith.constant 0 : i32
    %ge3A_1251 = vector.broadcast %ge3A_1250 : i32 to vector<16xi32>
    %ge3A_1252 = arith.cmpi sge, %add3A_1249, %ge3A_1251 : vector<16xi32>
    %lt3A_1253 = arith.constant 65536 : i32
    %lt3A_1254 = vector.broadcast %lt3A_1253 : i32 to vector<16xi32>
    %lt3A_1255 = arith.cmpi slt, %add3A_1249, %lt3A_1254 : vector<16xi32>
    %and3A_1256 = arith.andi %ge3A_1252, %lt3A_1255 : vector<16xi1>
    %jit3A_1257 = arith.constant 65536 : i32
    %broadcast_in_dim3A_1258 = vector.broadcast %jit3A_1257 : i32 to vector<16xi32>
    %select_n3A_1259 = arith.select %and3A_1256, %add3A_1249, %broadcast_in_dim3A_1258 : vector<16xi1>, vector<16xi32>
    %swap3A_1260 = arith.constant 3 : i32
    %swap3A_1261 = arith.index_cast %swap3A_1260 : i32 to index
    %swap3A_1262 = arith.constant 96 : index
    %swap3A_1263 = tpu.vector_load %arg9[%swap3A_1261, %swap3A_1262] {strides = array<i32>} : memref<4x128xi32, #tpu.memory_space<vmem>>, vector<1x16xi32>,
    %swap3A_1264 = vector.shape_cast %swap3A_1263 : vector<1x16xi32> to vector<16xi32>
    %swap3A_1265 = vector.shape_cast %select_n3A_1259 : vector<16xi32> to vector<1x16xi32>
    tpu.vector_store %arg9[%swap3A_1261, %swap3A_1262], %swap3A_1265 {strides = array<i32>} : memref<4x128xi32, #tpu.memory_space<vmem>>, vector<1x16xi32>,
    %get3A_1266 = arith.constant 496 : index
    %get3A_1267 = tpu.vector_load %arg8[%get3A_1266] {strides = array<i32>} : memref<512xi32, #tpu.memory_space<vmem>>, vector<16xi32>,
    %get3A_1268 = vector.shape_cast %get3A_1267 : vector<16xi32> to vector<16xi32>
    %shift_right_arithmetic3A_1269 = arith.constant 7 : i32
    %shift_right_arithmetic3A_1270 = vector.broadcast %shift_right_arithmetic3A_1269 : i32 to vector<16xi32>
    %shift_right_arithmetic3A_1271 = arith.shrsi %get3A_1268, %shift_right_arithmetic3A_1270 : vector<16xi32>
    %sub3A_1272 = vector.broadcast %arg0 : i32 to vector<16xi32>
    %sub3A_1273 = arith.subi %shift_right_arithmetic3A_1271, %sub3A_1272 : vector<16xi32>
    %mul3A_1274 = arith.constant 65536 : i32
    %mul3A_1275 = vector.broadcast %mul3A_1274 : i32 to vector<16xi32>
    %mul3A_1276 = arith.muli %sub3A_1273, %mul3A_1275 : vector<16xi32>
    %get3A_1277 = arith.constant 496 : index
    %get3A_1278 = tpu.vector_load %arg7[%get3A_1277] {strides = array<i32>} : memref<512xi32, #tpu.memory_space<vmem>>, vector<16xi32>,
    %get3A_1279 = vector.shape_cast %get3A_1278 : vector<16xi32> to vector<16xi32>
    %mul3A_1280 = arith.constant 128 : i32
    %mul3A_1281 = vector.broadcast %mul3A_1280 : i32 to vector<16xi32>
    %mul3A_1282 = arith.muli %get3A_1279, %mul3A_1281 : vector<16xi32>
    %add3A_1283 = arith.addi %mul3A_1276, %mul3A_1282 : vector<16xi32>
    %and3A_1284 = arith.constant 127 : i32
    %and3A_1285 = vector.broadcast %and3A_1284 : i32 to vector<16xi32>
    %and3A_1286 = arith.andi %get3A_1268, %and3A_1285 : vector<16xi32>
    %add3A_1287 = arith.addi %add3A_1283, %and3A_1286 : vector<16xi32>
    %ge3A_1288 = arith.constant 0 : i32
    %ge3A_1289 = vector.broadcast %ge3A_1288 : i32 to vector<16xi32>
    %ge3A_1290 = arith.cmpi sge, %add3A_1287, %ge3A_1289 : vector<16xi32>
    %lt3A_1291 = arith.constant 65536 : i32
    %lt3A_1292 = vector.broadcast %lt3A_1291 : i32 to vector<16xi32>
    %lt3A_1293 = arith.cmpi slt, %add3A_1287, %lt3A_1292 : vector<16xi32>
    %and3A_1294 = arith.andi %ge3A_1290, %lt3A_1293 : vector<16xi1>
    %jit3A_1295 = arith.constant 65536 : i32
    %broadcast_in_dim3A_1296 = vector.broadcast %jit3A_1295 : i32 to vector<16xi32>
    %select_n3A_1297 = arith.select %and3A_1294, %add3A_1287, %broadcast_in_dim3A_1296 : vector<16xi1>, vector<16xi32>
    %swap3A_1298 = arith.constant 3 : i32
    %swap3A_1299 = arith.index_cast %swap3A_1298 : i32 to index
    %swap3A_1300 = arith.constant 112 : index
    %swap3A_1301 = tpu.vector_load %arg9[%swap3A_1299, %swap3A_1300] {strides = array<i32>} : memref<4x128xi32, #tpu.memory_space<vmem>>, vector<1x16xi32>,
    %swap3A_1302 = vector.shape_cast %swap3A_1301 : vector<1x16xi32> to vector<16xi32>
    %swap3A_1303 = vector.shape_cast %select_n3A_1297 : vector<16xi32> to vector<1x16xi32>
    tpu.vector_store %arg9[%swap3A_1299, %swap3A_1300], %swap3A_1303 {strides = array<i32>} : memref<4x128xi32, #tpu.memory_space<vmem>>, vector<1x16xi32>,
    %dma_wait3A_1304 = tpu.memref_slice %arg6[%mul3A_55] : memref<65552xf32, #tpu.memory_space<vmem_shared>> -> memref<4096xf32, #tpu.memory_space<vmem_shared>>
    %dma_wait3A_1305 = tpu.memref_slice %arg6[%mul3A_55] : memref<65552xf32, #tpu.memory_space<vmem_shared>> -> memref<4096xf32, #tpu.memory_space<vmem_shared>>
    tpu.wait_dma2 semaphore(%arg13 : memref<!tpu.dma_semaphore, #tpu.memory_space<semaphore_mem>>) src(%arg11 : memref<4096xf32, #tpu.memory_space<vmem>>) dst(%dma_wait3A_1305 : memref<4096xf32, #tpu.memory_space<vmem_shared>>)
    %barrier3A = arith.constant 0 : index
    tpu.barrier barrier_id(%barrier3A)
    %dma_start3A_1306 = arith.constant 0 : i32
    %dma_start3A_1307 = arith.constant 0 : i32
    %dma_start3A_1308 = arith.constant 0 : i32
    %dma_start3A_1309 = tpu.memref_slice %arg10[%dma_start3A_1306, %dma_start3A_1308] : memref<4x128xf32, #tpu.memory_space<vmem>> -> memref<1x128xf32, #tpu.memory_space<vmem>>
    %dma_start3A_1310 = tpu.memref_squeeze %dma_start3A_1309 : memref<1x128xf32, #tpu.memory_space<vmem>> -> memref<128xf32, #tpu.memory_space<vmem>>
    %dma_start3A_1311 = arith.constant 0 : i32
    %dma_start3A_1312 = tpu.memref_slice %arg9[%dma_start3A_1307, %dma_start3A_1311] : memref<4x128xi32, #tpu.memory_space<vmem>> -> memref<1x128xi32, #tpu.memory_space<vmem>>
    %dma_start3A_1313 = tpu.memref_squeeze %dma_start3A_1312 : memref<1x128xi32, #tpu.memory_space<vmem>> -> memref<128xi32, #tpu.memory_space<vmem>>
    %dma_start3A_1314 = arith.constant 0 : i32
    %dma_start3A_1315 = tpu.memref_slice %arg6[%dma_start3A_1314] : memref<65552xf32, #tpu.memory_space<vmem_shared>> -> memref<65552xf32, #tpu.memory_space<vmem_shared>>
    tpu.enqueue_indirect_dma source(%dma_start3A_1310 : memref<128xf32, #tpu.memory_space<vmem>>) target(%dma_start3A_1315 : memref<65552xf32, #tpu.memory_space<vmem_shared>>) offsets(%dma_start3A_1313 : memref<128xi32, #tpu.memory_space<vmem>>) semaphore(%arg14 : memref<!tpu.dma_semaphore, #tpu.memory_space<semaphore_mem>>) {add = true}
    %dma_start3A_1316 = arith.constant 1 : i32
    %dma_start3A_1317 = arith.constant 1 : i32
    %dma_start3A_1318 = arith.constant 0 : i32
    %dma_start3A_1319 = tpu.memref_slice %arg10[%dma_start3A_1316, %dma_start3A_1318] : memref<4x128xf32, #tpu.memory_space<vmem>> -> memref<1x128xf32, #tpu.memory_space<vmem>>
    %dma_start3A_1320 = tpu.memref_squeeze %dma_start3A_1319 : memref<1x128xf32, #tpu.memory_space<vmem>> -> memref<128xf32, #tpu.memory_space<vmem>>
    %dma_start3A_1321 = arith.constant 0 : i32
    %dma_start3A_1322 = tpu.memref_slice %arg9[%dma_start3A_1317, %dma_start3A_1321] : memref<4x128xi32, #tpu.memory_space<vmem>> -> memref<1x128xi32, #tpu.memory_space<vmem>>
    %dma_start3A_1323 = tpu.memref_squeeze %dma_start3A_1322 : memref<1x128xi32, #tpu.memory_space<vmem>> -> memref<128xi32, #tpu.memory_space<vmem>>
    %dma_start3A_1324 = arith.constant 0 : i32
    %dma_start3A_1325 = tpu.memref_slice %arg6[%dma_start3A_1324] : memref<65552xf32, #tpu.memory_space<vmem_shared>> -> memref<65552xf32, #tpu.memory_space<vmem_shared>>
    tpu.enqueue_indirect_dma source(%dma_start3A_1320 : memref<128xf32, #tpu.memory_space<vmem>>) target(%dma_start3A_1325 : memref<65552xf32, #tpu.memory_space<vmem_shared>>) offsets(%dma_start3A_1323 : memref<128xi32, #tpu.memory_space<vmem>>) semaphore(%arg14 : memref<!tpu.dma_semaphore, #tpu.memory_space<semaphore_mem>>) {add = true}
    %dma_start3A_1326 = arith.constant 2 : i32
    %dma_start3A_1327 = arith.constant 2 : i32
    %dma_start3A_1328 = arith.constant 0 : i32
    %dma_start3A_1329 = tpu.memref_slice %arg10[%dma_start3A_1326, %dma_start3A_1328] : memref<4x128xf32, #tpu.memory_space<vmem>> -> memref<1x128xf32, #tpu.memory_space<vmem>>
    %dma_start3A_1330 = tpu.memref_squeeze %dma_start3A_1329 : memref<1x128xf32, #tpu.memory_space<vmem>> -> memref<128xf32, #tpu.memory_space<vmem>>
    %dma_start3A_1331 = arith.constant 0 : i32
    %dma_start3A_1332 = tpu.memref_slice %arg9[%dma_start3A_1327, %dma_start3A_1331] : memref<4x128xi32, #tpu.memory_space<vmem>> -> memref<1x128xi32, #tpu.memory_space<vmem>>
    %dma_start3A_1333 = tpu.memref_squeeze %dma_start3A_1332 : memref<1x128xi32, #tpu.memory_space<vmem>> -> memref<128xi32, #tpu.memory_space<vmem>>
    %dma_start3A_1334 = arith.constant 0 : i32
    %dma_start3A_1335 = tpu.memref_slice %arg6[%dma_start3A_1334] : memref<65552xf32, #tpu.memory_space<vmem_shared>> -> memref<65552xf32, #tpu.memory_space<vmem_shared>>
    tpu.enqueue_indirect_dma source(%dma_start3A_1330 : memref<128xf32, #tpu.memory_space<vmem>>) target(%dma_start3A_1335 : memref<65552xf32, #tpu.memory_space<vmem_shared>>) offsets(%dma_start3A_1333 : memref<128xi32, #tpu.memory_space<vmem>>) semaphore(%arg14 : memref<!tpu.dma_semaphore, #tpu.memory_space<semaphore_mem>>) {add = true}
    %dma_start3A_1336 = arith.constant 3 : i32
    %dma_start3A_1337 = arith.constant 3 : i32
    %dma_start3A_1338 = arith.constant 0 : i32
    %dma_start3A_1339 = tpu.memref_slice %arg10[%dma_start3A_1336, %dma_start3A_1338] : memref<4x128xf32, #tpu.memory_space<vmem>> -> memref<1x128xf32, #tpu.memory_space<vmem>>
    %dma_start3A_1340 = tpu.memref_squeeze %dma_start3A_1339 : memref<1x128xf32, #tpu.memory_space<vmem>> -> memref<128xf32, #tpu.memory_space<vmem>>
    %dma_start3A_1341 = arith.constant 0 : i32
    %dma_start3A_1342 = tpu.memref_slice %arg9[%dma_start3A_1337, %dma_start3A_1341] : memref<4x128xi32, #tpu.memory_space<vmem>> -> memref<1x128xi32, #tpu.memory_space<vmem>>
    %dma_start3A_1343 = tpu.memref_squeeze %dma_start3A_1342 : memref<1x128xi32, #tpu.memory_space<vmem>> -> memref<128xi32, #tpu.memory_space<vmem>>
    %dma_start3A_1344 = arith.constant 0 : i32
    %dma_start3A_1345 = tpu.memref_slice %arg6[%dma_start3A_1344] : memref<65552xf32, #tpu.memory_space<vmem_shared>> -> memref<65552xf32, #tpu.memory_space<vmem_shared>>
    tpu.enqueue_indirect_dma source(%dma_start3A_1340 : memref<128xf32, #tpu.memory_space<vmem>>) target(%dma_start3A_1345 : memref<65552xf32, #tpu.memory_space<vmem_shared>>) offsets(%dma_start3A_1343 : memref<128xi32, #tpu.memory_space<vmem>>) semaphore(%arg14 : memref<!tpu.dma_semaphore, #tpu.memory_space<semaphore_mem>>) {add = true}
    %dma_wait3A_1346 = arith.constant 0 : i32
    %dma_wait3A_1347 = arith.constant 0 : i32
    %dma_wait3A_1348 = arith.constant 0 : i32
    %dma_wait3A_1349 = tpu.memref_slice %arg10[%dma_wait3A_1346, %dma_wait3A_1348] : memref<4x128xf32, #tpu.memory_space<vmem>> -> memref<1x128xf32, #tpu.memory_space<vmem>>
    %dma_wait3A_1350 = tpu.memref_squeeze %dma_wait3A_1349 : memref<1x128xf32, #tpu.memory_space<vmem>> -> memref<128xf32, #tpu.memory_space<vmem>>
    %dma_wait3A_1351 = arith.constant 0 : i32
    %dma_wait3A_1352 = tpu.memref_slice %arg9[%dma_wait3A_1347, %dma_wait3A_1351] : memref<4x128xi32, #tpu.memory_space<vmem>> -> memref<1x128xi32, #tpu.memory_space<vmem>>
    %dma_wait3A_1353 = tpu.memref_squeeze %dma_wait3A_1352 : memref<1x128xi32, #tpu.memory_space<vmem>> -> memref<128xi32, #tpu.memory_space<vmem>>
    %dma_wait3A_1354 = arith.constant 0 : i32
    %dma_wait3A_1355 = tpu.memref_slice %arg6[%dma_wait3A_1354] : memref<65552xf32, #tpu.memory_space<vmem_shared>> -> memref<65552xf32, #tpu.memory_space<vmem_shared>>
    tpu.wait_indirect_dma semaphore(%arg14 : memref<!tpu.dma_semaphore, #tpu.memory_space<semaphore_mem>>) src(%dma_wait3A_1350 : memref<128xf32, #tpu.memory_space<vmem>>) dst(%dma_wait3A_1355 : memref<65552xf32, #tpu.memory_space<vmem_shared>>)
    %dma_wait3A_1356 = arith.constant 1 : i32
    %dma_wait3A_1357 = arith.constant 1 : i32
    %dma_wait3A_1358 = arith.constant 0 : i32
    %dma_wait3A_1359 = tpu.memref_slice %arg10[%dma_wait3A_1356, %dma_wait3A_1358] : memref<4x128xf32, #tpu.memory_space<vmem>> -> memref<1x128xf32, #tpu.memory_space<vmem>>
    %dma_wait3A_1360 = tpu.memref_squeeze %dma_wait3A_1359 : memref<1x128xf32, #tpu.memory_space<vmem>> -> memref<128xf32, #tpu.memory_space<vmem>>
    %dma_wait3A_1361 = arith.constant 0 : i32
    %dma_wait3A_1362 = tpu.memref_slice %arg9[%dma_wait3A_1357, %dma_wait3A_1361] : memref<4x128xi32, #tpu.memory_space<vmem>> -> memref<1x128xi32, #tpu.memory_space<vmem>>
    %dma_wait3A_1363 = tpu.memref_squeeze %dma_wait3A_1362 : memref<1x128xi32, #tpu.memory_space<vmem>> -> memref<128xi32, #tpu.memory_space<vmem>>
    %dma_wait3A_1364 = arith.constant 0 : i32
    %dma_wait3A_1365 = tpu.memref_slice %arg6[%dma_wait3A_1364] : memref<65552xf32, #tpu.memory_space<vmem_shared>> -> memref<65552xf32, #tpu.memory_space<vmem_shared>>
    tpu.wait_indirect_dma semaphore(%arg14 : memref<!tpu.dma_semaphore, #tpu.memory_space<semaphore_mem>>) src(%dma_wait3A_1360 : memref<128xf32, #tpu.memory_space<vmem>>) dst(%dma_wait3A_1365 : memref<65552xf32, #tpu.memory_space<vmem_shared>>)
    %dma_wait3A_1366 = arith.constant 2 : i32
    %dma_wait3A_1367 = arith.constant 2 : i32
    %dma_wait3A_1368 = arith.constant 0 : i32
    %dma_wait3A_1369 = tpu.memref_slice %arg10[%dma_wait3A_1366, %dma_wait3A_1368] : memref<4x128xf32, #tpu.memory_space<vmem>> -> memref<1x128xf32, #tpu.memory_space<vmem>>
    %dma_wait3A_1370 = tpu.memref_squeeze %dma_wait3A_1369 : memref<1x128xf32, #tpu.memory_space<vmem>> -> memref<128xf32, #tpu.memory_space<vmem>>
    %dma_wait3A_1371 = arith.constant 0 : i32
    %dma_wait3A_1372 = tpu.memref_slice %arg9[%dma_wait3A_1367, %dma_wait3A_1371] : memref<4x128xi32, #tpu.memory_space<vmem>> -> memref<1x128xi32, #tpu.memory_space<vmem>>
    %dma_wait3A_1373 = tpu.memref_squeeze %dma_wait3A_1372 : memref<1x128xi32, #tpu.memory_space<vmem>> -> memref<128xi32, #tpu.memory_space<vmem>>
    %dma_wait3A_1374 = arith.constant 0 : i32
    %dma_wait3A_1375 = tpu.memref_slice %arg6[%dma_wait3A_1374] : memref<65552xf32, #tpu.memory_space<vmem_shared>> -> memref<65552xf32, #tpu.memory_space<vmem_shared>>
    tpu.wait_indirect_dma semaphore(%arg14 : memref<!tpu.dma_semaphore, #tpu.memory_space<semaphore_mem>>) src(%dma_wait3A_1370 : memref<128xf32, #tpu.memory_space<vmem>>) dst(%dma_wait3A_1375 : memref<65552xf32, #tpu.memory_space<vmem_shared>>)
    %dma_wait3A_1376 = arith.constant 3 : i32
    %dma_wait3A_1377 = arith.constant 3 : i32
    %dma_wait3A_1378 = arith.constant 0 : i32
    %dma_wait3A_1379 = tpu.memref_slice %arg10[%dma_wait3A_1376, %dma_wait3A_1378] : memref<4x128xf32, #tpu.memory_space<vmem>> -> memref<1x128xf32, #tpu.memory_space<vmem>>
    %dma_wait3A_1380 = tpu.memref_squeeze %dma_wait3A_1379 : memref<1x128xf32, #tpu.memory_space<vmem>> -> memref<128xf32, #tpu.memory_space<vmem>>
    %dma_wait3A_1381 = arith.constant 0 : i32
    %dma_wait3A_1382 = tpu.memref_slice %arg9[%dma_wait3A_1377, %dma_wait3A_1381] : memref<4x128xi32, #tpu.memory_space<vmem>> -> memref<1x128xi32, #tpu.memory_space<vmem>>
    %dma_wait3A_1383 = tpu.memref_squeeze %dma_wait3A_1382 : memref<1x128xi32, #tpu.memory_space<vmem>> -> memref<128xi32, #tpu.memory_space<vmem>>
    %dma_wait3A_1384 = arith.constant 0 : i32
    %dma_wait3A_1385 = tpu.memref_slice %arg6[%dma_wait3A_1384] : memref<65552xf32, #tpu.memory_space<vmem_shared>> -> memref<65552xf32, #tpu.memory_space<vmem_shared>>
    tpu.wait_indirect_dma semaphore(%arg14 : memref<!tpu.dma_semaphore, #tpu.memory_space<semaphore_mem>>) src(%dma_wait3A_1380 : memref<128xf32, #tpu.memory_space<vmem>>) dst(%dma_wait3A_1385 : memref<65552xf32, #tpu.memory_space<vmem_shared>>)
    %barrier3A_1386 = arith.constant 0 : index
    tpu.barrier barrier_id(%barrier3A_1386)
    %mul3A_1387 = arith.constant 65536 : i32
    %mul3A_1388 = arith.muli %arg0, %mul3A_1387 : i32
    %mul3A_1389 = arith.constant 4096 : i32
    %mul3A_1390 = arith.muli %arg1, %mul3A_1389 : i32
    %add3A_1391 = arith.addi %mul3A_1388, %mul3A_1390 : i32
    "tpu.region"() ({
      %run_scoped3A = tpu.sem_alloc : memref<!tpu.dma_semaphore, #tpu.memory_space<semaphore_mem>>
      %dma_start3A_1392 = tpu.memref_slice %arg5[%add3A_1391] : memref<131072xf32, #tpu.memory_space<hbm>> -> memref<4096xf32, #tpu.memory_space<hbm>>
      %dma_start3A_1393 = tpu.memref_slice %arg6[%mul3A_55] : memref<65552xf32, #tpu.memory_space<vmem_shared>> -> memref<4096xf32, #tpu.memory_space<vmem_shared>>
      tpu.enqueue_dma source(%dma_start3A_1393 : memref<4096xf32, #tpu.memory_space<vmem_shared>>) target(%dma_start3A_1392 : memref<4096xf32, #tpu.memory_space<hbm>>) target_semaphore(%run_scoped3A : memref<!tpu.dma_semaphore, #tpu.memory_space<semaphore_mem>>)
      %dma_wait3A_1394 = tpu.memref_slice %arg5[%add3A_1391] : memref<131072xf32, #tpu.memory_space<hbm>> -> memref<4096xf32, #tpu.memory_space<hbm>>
      %dma_wait3A_1395 = tpu.memref_slice %arg6[%mul3A_55] : memref<65552xf32, #tpu.memory_space<vmem_shared>> -> memref<4096xf32, #tpu.memory_space<vmem_shared>>
      tpu.wait_dma2 semaphore(%run_scoped3A : memref<!tpu.dma_semaphore, #tpu.memory_space<semaphore_mem>>) src(%dma_wait3A_1395 : memref<4096xf32, #tpu.memory_space<vmem_shared>>) dst(%dma_wait3A_1394 : memref<4096xf32, #tpu.memory_space<hbm>>)
      tpu.yield
    }) : () -> ()
    return
  }
}

module attributes {stable_mosaic.version = 14 : i64} {
  func.func @_tc_body(%arg0: i32, %arg1: memref<1024x512xf32, #tpu.memory_space<vmem>>, %arg2: memref<1024x128xf32, #tpu.memory_space<vmem>>, %arg3: memref<1x256xi32, #tpu.memory_space<vmem>>, %arg4: memref<1024x256xf32, #tpu.memory_space<vmem>>) attributes {dimension_semantics = [#tpu.dimension_semantics<arbitrary>], iteration_bounds = array<i64: 4>, scalar_prefetch = 0 : i64, scratch_operands = 0 : i64, tpu.core_type = #tpu.core_type<tc>, window_params = [{transform_indices = @transform_0, window_bounds = array<i64: 1024, 512>}, {pipeline_mode = #tpu.pipeline_mode<synchronous>, transform_indices = @transform_1, window_bounds = array<i64: 1024, 128>}, {pipeline_mode = #tpu.pipeline_mode<synchronous>, transform_indices = @transform_2, window_bounds = array<i64: 1, 256>}, {transform_indices = @transform_3, window_bounds = array<i64: 1024, 256>}]} {
    %get3A = arith.constant 0 : index
    %get3A_0 = arith.constant 0 : index
    %get3A_1 = vector.load %arg1[%get3A, %get3A_0] : memref<1024x512xf32, #tpu.memory_space<vmem>>, vector<1024x512xf32>
    %get3A_2 = arith.constant 0 : index
    %get3A_3 = arith.constant 0 : index
    %get3A_4 = vector.load %arg2[%get3A_2, %get3A_3] : memref<1024x128xf32, #tpu.memory_space<vmem>>, vector<512x128xf32>
    %get3A_5 = arith.constant 512 : index
    %get3A_6 = arith.constant 0 : index
    %get3A_7 = vector.load %arg2[%get3A_5, %get3A_6] : memref<1024x128xf32, #tpu.memory_space<vmem>>, vector<512x128xf32>
    %dot_general3A = arith.constant dense<0.000000e+00> : vector<1024x128xf32>
    %dot_general3A_8 = tpu.matmul %get3A_1, %get3A_4, %dot_general3A {dimension_numbers = #tpu.dot_dimension_numbers<[1], [0], [0], [1], [0, 0, 1, 1], [], []>, transpose_lhs_hint = false} : vector<1024x512xf32>, vector<512x128xf32>, vector<1024x128xf32> -> vector<1024x128xf32>
    %dot_general3A_9 = arith.constant dense<0.000000e+00> : vector<1024x128xf32>
    %dot_general3A_10 = tpu.matmul %get3A_1, %get3A_7, %dot_general3A_9 {dimension_numbers = #tpu.dot_dimension_numbers<[1], [0], [0], [1], [0, 0, 1, 1], [], []>, transpose_lhs_hint = false} : vector<1024x512xf32>, vector<512x128xf32>, vector<1024x128xf32> -> vector<1024x128xf32>
    %get3A_11 = arith.constant 0 : index
    %get3A_12 = arith.constant 0 : index
    %get3A_13 = vector.load %arg3[%get3A_11, %get3A_12] : memref<1x256xi32, #tpu.memory_space<vmem>>, vector<1x128xi32>
    %get3A_14 = arith.constant 0 : index
    %get3A_15 = arith.constant 128 : index
    %get3A_16 = vector.load %arg3[%get3A_14, %get3A_15] : memref<1x256xi32, #tpu.memory_space<vmem>>, vector<1x128xi32>
    %eq3A = arith.constant 1 : i32
    %eq3A_17 = vector.broadcast %eq3A : i32 to vector<1x128xi32>
    %eq3A_18 = arith.cmpi eq, %get3A_13, %eq3A_17 : vector<1x128xi32>
    %tanh3A = math.tanh %dot_general3A_8 : vector<1024x128xf32>
    %broadcast_in_dim3A = vector.shape_cast %eq3A_18 : vector<1x128xi1> to vector<1x128xi1>
    %broadcast_in_dim3A_19 = vector.broadcast %broadcast_in_dim3A : vector<1x128xi1> to vector<1024x128xi1>
    %select_n3A = arith.select %broadcast_in_dim3A_19, %tanh3A, %dot_general3A_8 : vector<1024x128xi1>, vector<1024x128xf32>
    %eq3A_20 = arith.constant 1 : i32
    %eq3A_21 = vector.broadcast %eq3A_20 : i32 to vector<1x128xi32>
    %eq3A_22 = arith.cmpi eq, %get3A_16, %eq3A_21 : vector<1x128xi32>
    %tanh3A_23 = math.tanh %dot_general3A_10 : vector<1024x128xf32>
    %broadcast_in_dim3A_24 = vector.shape_cast %eq3A_22 : vector<1x128xi1> to vector<1x128xi1>
    %broadcast_in_dim3A_25 = vector.broadcast %broadcast_in_dim3A_24 : vector<1x128xi1> to vector<1024x128xi1>
    %select_n3A_26 = arith.select %broadcast_in_dim3A_25, %tanh3A_23, %dot_general3A_10 : vector<1024x128xi1>, vector<1024x128xf32>
    %logistic3A = arith.negf %select_n3A : vector<1024x128xf32>
    %logistic3A_27 = math.exp %logistic3A : vector<1024x128xf32>
    %logistic3A_28 = arith.constant 1.000000e+00 : f32
    %logistic3A_29 = vector.broadcast %logistic3A_28 : f32 to vector<1024x128xf32>
    %logistic3A_30 = arith.addf %logistic3A_29, %logistic3A_27 : vector<1024x128xf32>
    %logistic3A_31 = arith.divf %logistic3A_29, %logistic3A_30 : vector<1024x128xf32>
    %swap3A = arith.constant 0 : index
    %swap3A_32 = arith.constant 0 : index
    %swap3A_33 = vector.load %arg4[%swap3A, %swap3A_32] : memref<1024x256xf32, #tpu.memory_space<vmem>>, vector<1024x128xf32>
    tpu.vector_store %arg4[%swap3A, %swap3A_32], %logistic3A_31 {strides = array<i32>} : memref<1024x256xf32, #tpu.memory_space<vmem>>, vector<1024x128xf32>,
    %logistic3A_34 = arith.negf %select_n3A_26 : vector<1024x128xf32>
    %logistic3A_35 = math.exp %logistic3A_34 : vector<1024x128xf32>
    %logistic3A_36 = arith.constant 1.000000e+00 : f32
    %logistic3A_37 = vector.broadcast %logistic3A_36 : f32 to vector<1024x128xf32>
    %logistic3A_38 = arith.addf %logistic3A_37, %logistic3A_35 : vector<1024x128xf32>
    %logistic3A_39 = arith.divf %logistic3A_37, %logistic3A_38 : vector<1024x128xf32>
    %swap3A_40 = arith.constant 0 : index
    %swap3A_41 = arith.constant 128 : index
    %swap3A_42 = vector.load %arg4[%swap3A_40, %swap3A_41] : memref<1024x256xf32, #tpu.memory_space<vmem>>, vector<1024x128xf32>
    tpu.vector_store %arg4[%swap3A_40, %swap3A_41], %logistic3A_39 {strides = array<i32>} : memref<1024x256xf32, #tpu.memory_space<vmem>>, vector<1024x128xf32>,
    return
  }
  func.func @transform_0(%arg0: i32) -> (i32, i32) {
    %c0_i32 = arith.constant 0 : i32
    %c0_i32_0 = arith.constant 0 : i32
    return %arg0, %c0_i32 : i32, i32
  }
  func.func @transform_1(%arg0: i32) -> (i32, i32) {
    %c0_i32 = arith.constant 0 : i32
    %c0_i32_0 = arith.constant 0 : i32
    %c0_i32_1 = arith.constant 0 : i32
    return %c0_i32, %c0_i32_0 : i32, i32
  }
  func.func @transform_2(%arg0: i32) -> (i32, i32) {
    %c0_i32 = arith.constant 0 : i32
    %c0_i32_0 = arith.constant 0 : i32
    %c0_i32_1 = arith.constant 0 : i32
    return %c0_i32, %c0_i32_0 : i32, i32
  }
  func.func @transform_3(%arg0: i32) -> (i32, i32) {
    %c0_i32 = arith.constant 0 : i32
    %c0_i32_0 = arith.constant 0 : i32
    return %arg0, %c0_i32 : i32, i32
  }
}

</mosaic_0001>

<sc_bundles>
// kernel: kernel.4.cloned.1.call-start
scs
__scs_entry_jumppad:
0x0: {  	(pc) =	sbr.rel $0x88, $3  }
0x1: {  	(tag) =	ssettag $0x0;
	lr =	simm.s32 $0x1  }
0x2: {  	[smem:$0x3F9C] =	sst lr;
	_ =	strace $0xD0000000  }
0x3: {  	_ = 	snop  }
0x4: {  	_ = 	snop  }
0x5: {  	_ = 	snop  }
0x6: {  	_ = 	snop  }
0x7: {  	_ = 	snop  }
__scs_overlays_trampoline_lowered:
0x8: {  	[smem:$0x3FAB] =	sst s0  }
0x9: {  	[smem:$0x3FAC] =	sst s1  }
0xa: {  	[smem:$0x3FAD] =	sst s2  }
0xb: {  	[smem:$0x3FAE] =	sst s3  }
0xc: {  	[smem:$0x3FAF] =	sst s4  }
0xd: {  	[smem:$0x3FB0] =	sst s5  }
0xe: {  	[smem:$0x3FB1] =	sst s6  }
0xf: {  	[smem:$0x3FB2] =	sst s7  }
0x10: {  	[smem:$0x3FB3] =	sst s8  }
0x11: {  	[smem:$0x3FB4] =	sst s9;
	s0 =	simm.s32 @!p0 $0x0  }
0x12: {  	s1 =	sld [smem:$0x3F9A];
	s0 =	simm.s32 @p0 $0x1  }
0x13: {  	[smem:$0x3FB5] =	sst s0;
	s0 =	simm.s32 @!p1 $0x0  }
0x14: {  	s2 =	sld [smem:$0x3F99];
	s0 =	simm.s32 @p1 $0x1  }
0x15: {  	[smem:$0x3FB6] =	sst s0;
	s0 =	simm.s32 @!p2 $0x0  }
0x16: {  	s3 =	sld [smem:$0x3FDB];
	s0 =	simm.s32 @p2 $0x1  }
0x17: {  	s4 =	simm.s32 $0x1BF5;
	[smem:$0x3FB8] =	sst s0  }
0x18: {  	s0 =	sld [smem:$0x3F9B];
	_ =	swait.ge [sflag:s4], $0x0  }
0x19: {  	s7 =	sld [smem:$0x3F9C]  }
0x1a: {  	s8 =	sadd.s32 $0xFFFFE003, lr  }
0x1b: {  	s9 =	sadd.s32 $0xFFFFFEF7, lr;
	s5 =	simm.s32 $0xFFFFFFFF;
	p2 =	slt.u32 s8, $0xFFFFF086  }
0x1c: {  	p1 =	slt.u32 s9, $0xF7A;
	s5 =	simm.s32 @!p2 $0x0  }
0x1d: {  	s5 =	simm.s32 @p1 $0x1;
	p0 =	seq.s32 s7, s2  }
0x1e: {  	s7 =	smul.u32 @!p0 $0xF7A, s2;
	p2 =	seq.s32 @!p0 s5, $0x0  }
0x1f: {  	s9 =	smul.u32 $0xF7A, s1;
	s8 =	simm.s32 @!p0 $0x1BF5;
	p2 =	por !p2, p0  }
0x20: {  	[sflag:s8] =	ssyncset.s32 @!p0 $0xFFFFF086;
	s6 =	sadd.s32 @!p0 s3, s7;
	s7 =	simm.s32 @!p0 $0x108  }
0x21: {  	s3 =	sadd.s32 s3, s9;
	s6 =	sadd.s32 @!p0 $0x88, s6;
	s7 =	simm.s32 @p2 $0x1082  }
0x22: {  	[simem:s7], [sflag:s8] =	dma.local @!p0 [hbm:s6], $0xF7A  }
0x23: {  	s9 =	sor.u32 $0xD0000000, s2;
	s6 =	simm.s32 $0x108;
	_ =	swait.ge @!p0 [sflag:s8], $0x0  }
0x24: {  	s3 =	sadd.s32 $0x88, s3;
	s6 =	simm.s32 @!p1 $0x1082;
	[sflag:s4] =	ssyncset.s32 $0xFFFFF086  }
0x25: {  	[simem:s6], [sflag:s4] =	dma.local [hbm:s3], $0xF7A  }
0x26: {  	[smem:$0x3F9C] =	sst s1;
	(tag) =	ssettag s2;
	_ =	strace s9  }
0x27: {  	s1 =	sld [smem:$0x3FAC]  }
0x28: {  	s2 =	sld [smem:$0x3FAD]  }
0x29: {  	s4 =	sld [smem:$0x3FAF]  }
0x2a: {  	p0 =	seq.s32 s5, $0x0;
	s5 =	sld [smem:$0x3FB0]  }
0x2b: {  	s6 =	sld [smem:$0x3FB1]  }
0x2c: {  	s7 =	sld [smem:$0x3FB2]  }
0x2d: {  	s3 =	simm.s32 $0x108;
	s8 =	sld [smem:$0x3FB3]  }
0x2e: {  	s3 =	simm.s32 @!p0 $0x1082;
	s9 =	sld [smem:$0x3FB4]  }
0x2f: {  	lr =	sadd.s32 s0, s3;
	s0 =	sld [smem:$0x3FAB]  }
0x30: {  	s3 =	sld [smem:$0x3FAE]  }
0x31: {  	[smem:$0x3FB7] =	sst s10  }
0x32: {  	s10 =	sld [smem:$0x3FB5];
	_ =	sdelay $0x3  }
0x33: {  	p0 =	seq.s32 s10, $0x1;
	s10 =	sld [smem:$0x3FB7];
	_ =	sdelay $0x3  }
0x34: {  	[smem:$0x3FB7] =	sst s10  }
0x35: {  	s10 =	sld [smem:$0x3FB6];
	_ =	sdelay $0x3  }
0x36: {  	p1 =	seq.s32 s10, $0x1;
	s10 =	sld [smem:$0x3FB7];
	_ =	sdelay $0x3  }
0x37: {  	[smem:$0x3FB7] =	sst s10  }
0x38: {  	s10 =	sld [smem:$0x3FB8]  }
0x39: {  	_ = 	snop;
	(pc) =	sbr.ind lr, $3  }
0x3a: {  	_ = 	snop  }
0x3b: {  	_ = 	snop  }
0x3c: {  	p2 =	seq.s32 s10, $0x1;
	s10 =	sld [smem:$0x3FB7]  }
0x3d: {  	_ =	shalt  }
0x3e: {  	_ =	shalt  }
0x3f: {  	_ =	shalt  }
0x40: {  	_ =	shalt  }
0x41: {  	_ =	shalt  }
0x42: {  	_ =	shalt  }
0x43: {  	_ =	shalt  }
0x44: {  	_ =	shalt  }
0x45: {  	_ =	shalt  }
0x46: {  	_ =	shalt  }
0x47: {  	_ =	shalt  }
0x48: {  	_ =	shalt  }
0x49: {  	_ =	shalt  }
0x4a: {  	_ =	shalt  }
0x4b: {  	_ =	shalt  }
0x4c: {  	_ =	shalt  }
0x4d: {  	_ =	shalt  }
0x4e: {  	_ =	shalt  }
0x4f: {  	_ =	shalt  }
0x50: {  	_ =	shalt  }
0x51: {  	_ =	shalt  }
0x52: {  	_ =	shalt  }
0x53: {  	_ =	shalt  }
0x54: {  	_ =	shalt  }
0x55: {  	_ =	shalt  }
0x56: {  	_ =	shalt  }
0x57: {  	_ =	shalt  }
0x58: {  	_ =	shalt  }
0x59: {  	_ =	shalt  }
0x5a: {  	_ =	shalt  }
0x5b: {  	_ =	shalt  }
0x5c: {  	_ =	shalt  }
0x5d: {  	_ =	shalt  }
0x5e: {  	_ =	shalt  }
0x5f: {  	_ =	shalt  }
0x60: {  	_ =	shalt  }
0x61: {  	_ =	shalt  }
0x62: {  	_ =	shalt  }
0x63: {  	_ =	shalt  }
0x64: {  	_ =	shalt  }
0x65: {  	_ =	shalt  }
0x66: {  	_ =	shalt  }
0x67: {  	_ =	shalt  }
0x68: {  	_ =	shalt  }
0x69: {  	_ =	shalt  }
0x6a: {  	_ =	shalt  }
0x6b: {  	_ =	shalt  }
0x6c: {  	_ =	shalt  }
0x6d: {  	_ =	shalt  }
0x6e: {  	_ =	shalt  }
0x6f: {  	_ =	shalt  }
0x70: {  	_ =	shalt  }
0x71: {  	_ =	shalt  }
0x72: {  	_ =	shalt  }
0x73: {  	_ =	shalt  }
0x74: {  	_ =	shalt  }
0x75: {  	_ =	shalt  }
0x76: {  	_ =	shalt  }
0x77: {  	_ =	shalt  }
0x78: {  	_ =	shalt  }
0x79: {  	_ =	shalt  }
0x7a: {  	_ =	shalt  }
0x7b: {  	_ =	shalt  }
0x7c: {  	_ =	shalt  }
0x7d: {  	_ =	shalt  }
0x7e: {  	_ =	shalt  }
0x7f: {  	_ =	shalt  }
0x80: {  	_ =	shalt  }
0x81: {  	_ =	shalt  }
0x82: {  	_ =	shalt  }
0x83: {  	_ =	shalt  }
0x84: {  	_ =	shalt  }
0x85: {  	_ =	shalt  }
0x86: {  	_ =	shalt  }
0x87: {  	_ =	shalt  }
.Lfunc_end0:
.L_simem_size_0:
called_computation_lowered:
.L_overlay_start_0:
0x88: {  	s2 =	sld [smem:$0x3FD9]  }
0x89: {  	s3 =	sld [smem:$0x3FFE];
	_ =	sdelay $0x1  }
0x8a: {  	s1 =	srdreg.scid  }
0x8b: {  	s0 =	sand.u32 $0x1, s1  }
0x8c: {  	s18 =	sshll.u32 s0, $0xA;
	s2 =	sadd.s32 s3, s2  }
0x8d: {  	s2 =	sadd.s32 s2, s18  }
0x8e: {  	[smem:$0x3FC3] =	sst s2  }
0x8f: {  	_ = 	snop  }
0x90: {  	s2 =	sld [smem:$0x3FC8]  }
0x91: {  	s19 =	sld [smem:$0x3FC7]  }
0x92: {  	s4 =	sld [smem:$0x3FC6]  }
0x93: {  	s5 =	sld [smem:$0x3FD0];
	(tm) =	ssettm $0x1  }
0x94: {  	s6 =	sld [smem:$0x3FFB];
	_ =	sdelay $0x3  }
0x95: {  	_ =	strace s6  }
0x96: {  	s6 =	sld [smem:$0x3FFC];
	_ =	sdelay $0x3  }
0x97: {  	_ =	strace s6  }
0x98: {  	s6 =	sld [smem:$0x3FFD];
	_ =	sdelay $0x3  }
0x99: {  	_ =	strace s6  }
0x9a: {  	_ =	strace $0x8FFFFFFF  }
0x9b: {  	s20 =	sld [smem:$0x3FDB];
	_ =	sdelay $0x1  }
0x9c: {  	s7 =	simm.s32 $_scs_section_size  }
0x9d: {  	s8 =	simm.s32 $_size__tile_overlayer_lowered;
	s9 =	simm.s32 $_tile_overlayer_lowered  }
0x9e: {  	s23 =	simm.s32 $0x1BFF;
	s22 =	sshll.u32 s9, $0x1;
	s6 =	sadd.s32 s7, s20  }
0x9f: {  	s10 =	simm.s32 $0x0;
	s21 =	sshll.u32 s8, $0x1;
	s8 =	sadd.s32 s22, s6  }
0xa0: {  	[timem:s10], [sflag:s23] =	dma.local [hbm:s8], s21  }
0xa1: {  	_ =	swait.ge [sflag:s23], s21  }
0xa2: {  	s7 =	ssub.s32 $0x0, s21;
	[sflag:s23] =	ssyncset.done $0x0  }
0xa3: {  	[sflag:s23] =	ssyncadd.s32 s7;
	_ =	sdelay $0x1  }
0xa4: {  	s24 =	simm.s32 $0x1B8B  }
0xa5: {  	_ =	swait.ge [sflag:s24], $0x1  }
0xa6: {  	[sflag:s24] =	ssyncset.done $0x0  }
0xa7: {  	s25 =	simm.s32 $0x1B8E;
	[sflag:s24] =	ssyncadd.s32 $0xFFFFFFFF  }
0xa8: {  	s26 =	simm.s32 $execute0_lowered;
	[smem:$0x3FD2] =	sst s25  }
0xa9: {  	s7 =	sshll.u32 s26, $0x1;
	_ =	strace $0x80000046;
	[dreg:$0x1] =	wrdreg $0xFFFFFFFF  }
0xaa: {  	s28 =	simm.s32 $_size_execute0_lowered;
	s6 =	sadd.s32 s6, s7;
	[dreg:$0x0] =	wrdreg $0x0  }
0xab: {  	s7 =	sshll.u32 s28, $0x1;
	[dreg:$0x2] =	wrdreg s6  }
0xac: {  	[dreg:$0x3] =	wrdreg s7  }
0xad: {  	[dreg:$0x4] =	wrdreg $0xC0  }
0xae: {  	_ =	task [dreg:s10], $0x5FFFF  }
0xaf: {  	[dreg:$0x1] =	wrdreg $0xFFFFFFFF  }
0xb0: {  	[dreg:$0x0] =	wrdreg $0x60  }
0xb1: {  	[dreg:$0x2] =	wrdreg s4  }
0xb2: {  	[dreg:$0x3] =	wrdreg s19  }
0xb3: {  	[dreg:$0x4] =	wrdreg s2  }
0xb4: {  	[dreg:$0x5] =	wrdreg s5  }
0xb5: {  	[dreg:$0x6] =	wrdreg $0x0  }
0xb6: {  	[dreg:$0x7] =	wrdreg $0x9  }
0xb7: {  	_ =	task.clear_ibuf [dreg:s10], $0x8FFFF;
	_ =	strace $0x90000046  }
0xb8: {  	s29 =	simm.s32 $0x9;
	_ =	strace $0x80000048  }
0xb9: {  	_ =	swait.ge [sflag:s29], $0x1  }
0xba: {  	[sflag:s29] =	ssyncadd.s32 $0xFFFFFFFF  }
0xbb: {  	_ =	strace $0x90000048  }
0xbc: {  	_ =	sfence  }
0xbd: {  	s30 =	sld [smem:$0x0];
	_ =	sdelay $0x2  }
0xbe: {  	s31 =	sshll.u32 s1, $0xD;
	s1 =	sshrl.u32 s1, $0x2  }
0xbf: {  	s3 =	sand.u32 $0x4000, s31;
	s1 =	sadd.s32 s1, s30  }
0xc0: {  	s0 =	sor.u32 s3, s0;
	s1 =	sshll.u32 s1, $0x11  }
0xc1: {  	s0 =	sor.u32 s1, s0  }
0xc2: {  	s0 =	sadd.s32 $0x8F2B, s0  }
0xc3: {  	[sflag:s0] =	ssyncadd.remote.s32 $0x1  }
0xc4: {  	_ =	sfence.sel $0xFFFF  }
0xc5: {  	[dreg:$0x0] =	wrdreg $0xFFFFFFFF;
	(pc) =	sbr.abs _section_cstart, $3  }
0xc6: {  	[dreg:$0x1] =	wrdreg $0xFFFFFFFF  }
0xc7: {  	_ =	task.clear_ibuf [dreg:s10], $0x2FFFF;
	_ =	strace $0x9FFFFFFF  }
0xc8: {  	(tm) =	ssettm $0x7FFFFFFF  }
0xc9: {  	_ =	shalt  }
tec
execute0_lowered:
.L_overlay_start_1:
0x0: {  	(tag) =	ssettag $0x1  }
0x1: {  	s0 =	rddreg [dreg:$0x0]  }
0x2: {  	s2 =	rddreg [dreg:$0x1]  }
0x3: {  	s7 =	rddreg [dreg:$0x2]  }
0x4: {  	s12 =	rddreg [dreg:$0x3]  }
0x5: {  	s3 =	srdreg.scid;
	s1 =	rddreg [dreg:$0x4]  }
0x6: {  	s6 =	stileid.u32;
	s14 =	simm.s32 $0x1008;
	s15 =	simm.s32 $0x1208  }
0x7: {  	s16 =	simm.s32 $0x1608;
	s17 =	simm.s32 $0x1688;
	s18 =	simm.s32 $0x1708  }
0x8: {  	s19 =	simm.s32 $0x1788;
	s20 =	simm.s32 $0x1808;
	s21 =	simm.s32 $0x1  }
0x9: {  	s22 =	simm.s32 $0x2;
	s23 =	simm.s32 $0x80;
	s24 =	simm.s32 $0x1408  }
0xa: {  	s28 =	simm.s32 $0x1588;
	s30 =	simm.s32 $0x4;
	s31 =	simm.s32 $0x0  }
0xb: {  	s29 =	sand.u32 $0x1, s3;
	s3 =	simm.s32 $0x0;
	s25 =	sshll.u32 s6, $0xC  }
0xc: {  	s4 =	ssub.s32 $0x2, s29;
	[smem:$0x7FF] =	sst s3;
	s8 =	sshll.u32 s29, $0x10  }
0xd: {  	s11 =	sadd.s32 s25, s1;
	v0 =	vmov s29;
	s29 =	simm.s32 $0x3;
	s5 =	sshrl.u32 s4, $0x1  }
0xe: {  	_ =	strace $0x80000047;
	s13 =	ssub.s32 s4, s5;
	s4 =	sshll.u32 s6, $0x6  }
0xf: {  	s26 =	sor.u32 s25, s8;
	s25 =	simm.s32 $0x1488;
	s5 =	sadd.s32 s0, s4  }
0x10: {  	s6 =	sadd.s32 s2, s4;
	s7 =	sadd.s32 s7, s4;
	s2 =	sshrl.u32 s26, $0x3  }
0x11: {  	s13 =	smax.u32 s13, $0x1;
	s26 =	simm.s32 $0x1508;
	s8 =	sadd.s32 $0x10, s7  }
0x12: {  	v1 =	vimm.f32 $0.0e+00;
	s9 =	sadd.s32 $0x20, s7;
	s10 =	sadd.s32 $0x30, s7;
	s12 =	sadd.s32 s12, s2  }
.LBB2_1:
0x13: {  	[tilespmem:s14], [sflag:$0x1] =	stream.linear.gather [hbm4b:s5+s3], $0x200, $0x38;
	[tilespmem:$0x2808] =	vst v63  }
0x14: {  	_ = 	snop  }
0x15: {  	[tilespmem:s15], [sflag:$0x1] =	stream.linear.gather [hbm4b:s6+s3], $0x200, $0x38;
	[tilespmem:$0x2808] =	vst v63  }
0x16: {  	_ = 	snop  }
0x17: {  	[tilespmem:s16], [sflag:$0x1] =	stream.linear.gather [hbm4b:s7+s3], $0x80, $0x38;
	[tilespmem:$0x2808] =	vst v63  }
0x18: {  	_ = 	snop  }
0x19: {  	[tilespmem:s17], [sflag:$0x1] =	stream.linear.gather [hbm4b:s8+s3], $0x80, $0x38;
	[tilespmem:$0x2808] =	vst v63  }
0x1a: {  	_ = 	snop  }
0x1b: {  	[tilespmem:s18], [sflag:$0x1] =	stream.linear.gather [hbm4b:s9+s3], $0x80, $0x38;
	[tilespmem:$0x2808] =	vst v63  }
0x1c: {  	s0 =	simm.s32 $0x0;
	s2 =	simm.s32 $0x400  }
0x1d: {  	[tilespmem:s19], [sflag:$0x1] =	stream.linear.gather [hbm4b:s10+s3], $0x80, $0x38;
	[tilespmem:$0x2808] =	vst v63  }
.LBB2_2:
0x1e: {  	p0 =	sne.s32 s2, $0x3C00;
	[tilespmem:s0+$0x18F8] =	vst v1  }
0x1f: {  	[tilespmem:s0+$0x1808] =	vst v1  }
0x20: {  	[tilespmem:s0+$0x1818] =	vst v1  }
0x21: {  	[tilespmem:s0+$0x1828] =	vst v1  }
0x22: {  	[tilespmem:s0+$0x1838] =	vst v1  }
0x23: {  	[tilespmem:s0+$0x1848] =	vst v1  }
0x24: {  	[tilespmem:s0+$0x1858] =	vst v1  }
0x25: {  	[tilespmem:s0+$0x1868] =	vst v1  }
0x26: {  	[tilespmem:s0+$0x1878] =	vst v1  }
0x27: {  	[tilespmem:s0+$0x1888] =	vst v1  }
0x28: {  	[tilespmem:s0+$0x1898] =	vst v1  }
.Ltmp0:
0x29: {  	[tilespmem:s0+$0x18A8] =	vst v1;
	(pc) =	sbr.rel @p0 .LBB2_2-.Ltmp0, $4  }
0x2a: {  	[tilespmem:s0+$0x18B8] =	vst v1  }
0x2b: {  	[tilespmem:s0+$0x18C8] =	vst v1  }
0x2c: {  	[tilespmem:s0+$0x18D8] =	vst v1  }
0x2d: {  	[tilespmem:s0+$0x18E8] =	vst v1;
	s0 =	sshra.s32 s2, $0x2;
	s2 =	sadd.s32 $0x400, s2  }
0x2e: {  	[tilespmem:s0+$0x18F8] =	vst v1  }
0x2f: {  	[tilespmem:s0+$0x1808] =	vst v1  }
0x30: {  	[tilespmem:s0+$0x1818] =	vst v1  }
0x31: {  	[tilespmem:s0+$0x1828] =	vst v1  }
0x32: {  	[tilespmem:s0+$0x1838] =	vst v1  }
0x33: {  	[tilespmem:s0+$0x1848] =	vst v1  }
0x34: {  	[tilespmem:s0+$0x1858] =	vst v1  }
0x35: {  	[tilespmem:s0+$0x1868] =	vst v1  }
0x36: {  	[tilespmem:s0+$0x1878] =	vst v1  }
0x37: {  	[tilespmem:s0+$0x1888] =	vst v1  }
0x38: {  	[tilespmem:s0+$0x1898] =	vst v1  }
0x39: {  	[tilespmem:s0+$0x18A8] =	vst v1  }
0x3a: {  	[tilespmem:s0+$0x18B8] =	vst v1  }
0x3b: {  	[tilespmem:s0+$0x18C8] =	vst v1  }
0x3c: {  	[tilespmem:s0+$0x18D8] =	vst v1  }
0x3d: {  	[tilespmem:s0+$0x18E8] =	vst v1  }
0x3e: {  	[spmem:s11] =	stream.linear.scatter [tilespmem:s20], [sflag:$0x2], $0x1000, $0x38;
	[tilespmem:$0x2808] =	vst v63  }
0x3f: {  	_ =	swait.ge [sflag:s21], $0x200  }
0x40: {  	[sflag:s21] =	ssyncset.done $0x0  }
0x41: {  	[sflag:s21] =	ssyncadd.s32 $0xFFFFFE00  }
0x42: {  	_ =	swait.ge [sflag:s21], $0x200  }
0x43: {  	[sflag:s21] =	ssyncset.done $0x0  }
0x44: {  	[sflag:s21] =	ssyncadd.s32 $0xFFFFFE00  }
0x45: {  	_ =	swait.ge [sflag:s21], $0x80  }
0x46: {  	[sflag:s21] =	ssyncset.done $0x0  }
0x47: {  	[sflag:s21] =	ssyncadd.s32 $0xFFFFFF80  }
0x48: {  	_ =	swait.ge [sflag:s21], $0x80  }
0x49: {  	[sflag:s21] =	ssyncset.done $0x0  }
0x4a: {  	[sflag:s21] =	ssyncadd.s32 $0xFFFFFF80  }
0x4b: {  	_ =	swait.ge [sflag:s21], $0x80  }
0x4c: {  	[sflag:s21] =	ssyncset.done $0x0  }
0x4d: {  	[sflag:s21] =	ssyncadd.s32 $0xFFFFFF80  }
0x4e: {  	_ =	swait.ge [sflag:s21], $0x80  }
0x4f: {  	[sflag:s21] =	ssyncset.done $0x0  }
0x50: {  	[sflag:s21] =	ssyncadd.s32 $0xFFFFFF80  }
0x51: {  	v2 =	vld [tilespmem:$0x1208]  }
0x52: {  	v3 =	vld [tilespmem:$0x1008]  }
0x53: {  	v4 =	vld [tilespmem:$0x1218]  }
0x54: {  	v5 =	vld [tilespmem:$0x1018]  }
0x55: {  	v27 =	vld [tilespmem:$0x1228]  }
0x56: {  	v8 =	vld [tilespmem:$0x1028]  }
0x57: {  	v28 =	vld [tilespmem:$0x1238]  }
0x58: {  	v9 =	vld [tilespmem:$0x1038]  }
0x59: {  	v10 =	vld [tilespmem:$0x1248]  }
0x5a: {  	v36 =	vld [tilespmem:$0x1048]  }
0x5b: {  	v37 =	vld [tilespmem:$0x1258]  }
0x5c: {  	v11 =	vld [tilespmem:$0x1058]  }
0x5d: {  	v42 =	vld [tilespmem:$0x1268]  }
0x5e: {  	v12 =	vld [tilespmem:$0x1068]  }
0x5f: {  	v46 =	vld [tilespmem:$0x1278]  }
0x60: {  	v13 =	vld [tilespmem:$0x1078]  }
0x61: {  	v52 =	vld [tilespmem:$0x1288]  }
0x62: {  	v14 =	vld [tilespmem:$0x1088]  }
0x63: {  	v53 =	vld [tilespmem:$0x1298];
	v6 =	vshrl.u32 v2, $0x7;
	v3 =	vshll.u32 v3, $0x7;
	v7 =	vshrl.u32 v4, $0x7  }
0x64: {  	v15 =	vld [tilespmem:$0x1098];
	v2 =	vand.u32 $0x7F, v2;
	v5 =	vshll.u32 v5, $0x7;
	v4 =	vand.u32 $0x7F, v4  }
0x65: {  	v16 =	vld [tilespmem:$0x12A8];
	v29 =	vshrl.u32 v27, $0x7;
	v31 =	vshll.u32 v8, $0x7;
	v32 =	vshrl.u32 v28, $0x7  }
0x66: {  	v62 =	vld [tilespmem:$0x10A8];
	v33 =	vand.u32 $0x7F, v27;
	v35 =	vshll.u32 v9, $0x7;
	v40 =	vshrl.u32 v10, $0x7  }
0x67: {  	v63 =	vld [tilespmem:$0x12B8];
	v41 =	vshll.u32 v36, $0x7;
	v43 =	vand.u32 $0x7F, v10;
	v44 =	vshrl.u32 v37, $0x7  }
0x68: {  	v17 =	vld [tilespmem:$0x10B8];
	v11 =	vshll.u32 v11, $0x7;
	v8 =	vand.u32 $0x7F, v37;
	v48 =	vshrl.u32 v42, $0x7  }
0x69: {  	v19 =	vld [tilespmem:$0x10D8];
	v49 =	vshll.u32 v12, $0x7;
	v50 =	vshrl.u32 v46, $0x7;
	v9 =	vand.u32 $0x7F, v42  }
0x6a: {  	v13 =	vshll.u32 v13, $0x7;
	v10 =	vand.u32 $0x7F, v46;
	v55 =	vshrl.u32 v52, $0x7  }
0x6b: {  	v57 =	vshll.u32 v14, $0x7;
	v58 =	vshrl.u32 v53, $0x7;
	v59 =	vand.u32 $0x7F, v52  }
0x6c: {  	v61 =	vshll.u32 v15, $0x7;
	v23 =	vshrl.u32 v16, $0x7;
	v25 =	vshll.u32 v62, $0x7  }
0x6d: {  	v27 =	vand.u32 $0x7F, v16;
	v17 =	vshll.u32 v17, $0x7;
	v14 =	vand.u32 $0x7F, v63  }
0x6e: {  	v19 =	vshll.u32 v19, $0x7;
	v6 =	vsub.s32 v6, v0;
	v26 =	vsub.s32 v7, v0  }
0x6f: {  	v30 =	vsub.s32 v29, v0;
	v34 =	vsub.s32 v32, v0;
	v45 =	vsub.s32 v44, v0  }
0x70: {  	v51 =	vsub.s32 v50, v0;
	v56 =	vsub.s32 v55, v0;
	v60 =	vsub.s32 v58, v0  }
0x71: {  	v24 =	vsub.s32 v23, v0;
	v6 =	vshll.u32 v6, $0x10;
	v7 =	vshll.u32 v34, $0x10  }
0x72: {  	v37 =	vld [tilespmem:$0x12F8];
	v12 =	vshll.u32 v60, $0x10;
	v3 =	vadd.s32 v3, v6;
	v6 =	vshll.u32 v26, $0x10  }
0x73: {  	v46 =	vld [tilespmem:$0x1108];
	v7 =	vadd.s32 v35, v7;
	v12 =	vadd.s32 v61, v12;
	v2 =	vor.u32 v2, v3  }
0x74: {  	v5 =	vadd.s32 v5, v6;
	vm1 =	vgt.s32 v3, $0xFFFFFFFF;
	v6 =	vand.u32 $0x7F, v28  }
0x75: {  	v23 =	vld [tilespmem:$0x1118];
	vm7 =	vgt.s32 v7, $0xFFFFFFFF;
	v28 =	vshrl.u32 v63, $0x7;
	vm0 =	vlt.s32 v2, $0x10000  }
0x76: {  	v20 =	vld [tilespmem:$0x10E8];
	v4 =	vor.u32 v4, v5;
	vm15 =	vgt.s32 v5, $0xFFFFFFFF;
	v39 =	vor.u32 v6, v7  }
0x77: {  	v6 =	vsub.s32 v40, v0;
	v29 =	vsub.s32 v28, v0;
	v42 =	vshrl.u32 v37, $0x7  }
0x78: {  	v26 =	vld [tilespmem:$0x12C8];
	v52 =	vshll.u32 v46, $0x7;
	v2 =	vnsel vm0, $0x10000, v2;
	vm14 =	vlt.s32 v4, $0x10000  }
0x79: {  	v36 =	vld [tilespmem:$0x12E8];
	vm6 =	vlt.s32 v39, $0x10000;
	v6 =	vshll.u32 v6, $0x10;
	v44 =	vsub.s32 v42, v0  }
0x7a: {  	v23 =	vshll.u32 v23, $0x7;
	v4 =	vnsel vm14, $0x10000, v4;
	v3 =	vnsel vm1, $0x10000, v2  }
0x7b: {  	v6 =	vadd.s32 v41, v6;
	v41 =	vshll.u32 v20, $0x7;
	v2 =	vnsel vm15, $0x10000, v4  }
0x7c: {  	v18 =	vld [tilespmem:$0x10C8];
	v4 =	vshll.u32 v30, $0x10;
	v7 =	vor.u32 v43, v6;
	vm8 =	vgt.s32 v6, $0xFFFFFFFF  }
0x7d: {  	v6 =	vshll.u32 v45, $0x10;
	v32 =	vshrl.u32 v26, $0x7;
	v15 =	vand.u32 $0x7F, v26  }
0x7e: {  	v43 =	vand.u32 $0x7F, v36;
	v4 =	vadd.s32 v31, v4;
	vm9 =	vlt.s32 v7, $0x10000  }
0x7f: {  	v11 =	vadd.s32 v11, v6;
	v5 =	vor.u32 v33, v4;
	vm5 =	vgt.s32 v4, $0xFFFFFFFF  }
0x80: {  	v7 =	vnsel vm9, $0x10000, v7;
	v47 =	vor.u32 v8, v11;
	vm10 =	vgt.s32 v11, $0xFFFFFFFF  }
0x81: {  	v8 =	vsub.s32 v48, v0;
	v11 =	vshll.u32 v51, $0x10;
	v33 =	vshll.u32 v18, $0x7  }
0x82: {  	v18 =	vshll.u32 v44, $0x10;
	vm4 =	vlt.s32 v5, $0x10000;
	v6 =	vnsel vm8, $0x10000, v7  }
0x83: {  	vm11 =	vlt.s32 v47, $0x10000;
	v8 =	vshll.u32 v8, $0x10;
	v11 =	vadd.s32 v13, v11  }
0x84: {  	v42 =	vld [tilespmem:$0x1378];
	v13 =	vand.u32 $0x7F, v53;
	v38 =	vnsel vm4, $0x10000, v5;
	v5 =	vnsel vm6, $0x10000, v39  }
0x85: {  	v30 =	vld [tilespmem:$0x12D8];
	v7 =	vnsel vm11, $0x10000, v47;
	v8 =	vadd.s32 v49, v8;
	v10 =	vor.u32 v10, v11  }
0x86: {  	v26 =	vld [tilespmem:$0x1148];
	vm15 =	vgt.s32 v11, $0xFFFFFFFF;
	v22 =	vor.u32 v13, v12;
	v39 =	vshrl.u32 v36, $0x7  }
0x87: {  	v4 =	vnsel vm5, $0x10000, v38;
	v5 =	vnsel vm7, $0x10000, v5;
	v9 =	vor.u32 v9, v8  }
0x88: {  	v63 =	vld [tilespmem:$0x1348];
	v7 =	vnsel vm10, $0x10000, v7;
	vm13 =	vgt.s32 v8, $0xFFFFFFFF;
	vm14 =	vlt.s32 v10, $0x10000  }
0x89: {  	vm6 =	vlt.s32 v22, $0x10000;
	vm7 =	vgt.s32 v12, $0xFFFFFFFF;
	v12 =	vshll.u32 v24, $0x10  }
0x8a: {  	v34 =	vshrl.u32 v30, $0x7;
	v16 =	vand.u32 $0x7F, v30;
	v40 =	vsub.s32 v39, v0  }
0x8b: {  	v36 =	vshll.u32 v26, $0x7;
	v26 =	vand.u32 $0x7F, v42;
	vm12 =	vlt.s32 v9, $0x10000  }
0x8c: {  	v10 =	vnsel vm14, $0x10000, v10;
	v12 =	vadd.s32 v25, v12;
	v35 =	vsub.s32 v34, v0  }
0x8d: {  	v53 =	vld [tilespmem:$0x1328];
	v34 =	vshrl.u32 v63, $0x7;
	v54 =	vnsel vm12, $0x10000, v9;
	v8 =	vnsel vm15, $0x10000, v10  }
0x8e: {  	v47 =	vld [tilespmem:$0x1318];
	v10 =	vshll.u32 v56, $0x10;
	v13 =	vor.u32 v27, v12;
	vm8 =	vgt.s32 v12, $0xFFFFFFFF  }
0x8f: {  	v12 =	vshll.u32 v29, $0x10;
	v9 =	vnsel vm13, $0x10000, v54;
	v10 =	vadd.s32 v57, v10  }
0x90: {  	vm9 =	vlt.s32 v13, $0x10000;
	v17 =	vadd.s32 v17, v12;
	v11 =	vor.u32 v59, v10  }
0x91: {  	v24 =	vld [tilespmem:$0x1128];
	vm5 =	vgt.s32 v10, $0xFFFFFFFF;
	v13 =	vnsel vm9, $0x10000, v13;
	v31 =	vor.u32 v14, v17  }
0x92: {  	vm10 =	vgt.s32 v17, $0xFFFFFFFF;
	v14 =	vsub.s32 v32, v0;
	v17 =	vshll.u32 v35, $0x10  }
0x93: {  	v30 =	vld [tilespmem:$0x1398];
	v55 =	vshrl.u32 v47, $0x7;
	v20 =	vand.u32 $0x7F, v47;
	v59 =	vshrl.u32 v53, $0x7  }
0x94: {  	v25 =	vld [tilespmem:$0x1138];
	v35 =	vsub.s32 v34, v0;
	vm4 =	vlt.s32 v11, $0x10000;
	v12 =	vnsel vm8, $0x10000, v13  }
0x95: {  	vm11 =	vlt.s32 v31, $0x10000;
	v14 =	vshll.u32 v14, $0x10;
	v17 =	vadd.s32 v19, v17  }
0x96: {  	v29 =	vld [tilespmem:$0x1178];
	v19 =	vand.u32 $0x7F, v37;
	v56 =	vsub.s32 v55, v0;
	v60 =	vshll.u32 v24, $0x7  }
0x97: {  	v57 =	vld [tilespmem:$0x1338];
	v21 =	vnsel vm4, $0x10000, v11;
	v11 =	vnsel vm6, $0x10000, v22;
	v13 =	vnsel vm11, $0x10000, v31  }
0x98: {  	v27 =	vld [tilespmem:$0x1158];
	v14 =	vadd.s32 v33, v14;
	v16 =	vor.u32 v16, v17;
	vm15 =	vgt.s32 v17, $0xFFFFFFFF  }
0x99: {  	v32 =	vld [tilespmem:$0x1358];
	v25 =	vshll.u32 v25, $0x7;
	v31 =	vand.u32 $0x7F, v30;
	v10 =	vnsel vm5, $0x10000, v21  }
0x9a: {  	v11 =	vnsel vm7, $0x10000, v11;
	v15 =	vor.u32 v15, v14;
	v13 =	vnsel vm10, $0x10000, v13  }
0x9b: {  	vm13 =	vgt.s32 v14, $0xFFFFFFFF;
	vm14 =	vlt.s32 v16, $0x10000;
	v29 =	vshll.u32 v29, $0x7  }
0x9c: {  	v22 =	vld [tilespmem:$0x1308];
	vm12 =	vlt.s32 v15, $0x10000;
	v16 =	vnsel vm14, $0x10000, v16;
	v61 =	vshrl.u32 v57, $0x7  }
0x9d: {  	v21 =	vld [tilespmem:$0x10F8];
	v38 =	vnsel vm12, $0x10000, v15;
	v14 =	vnsel vm15, $0x10000, v16;
	v16 =	vshll.u32 v40, $0x10  }
0x9e: {  	v62 =	vsub.s32 v61, v0;
	v37 =	vshrl.u32 v32, $0x7;
	v40 =	vshll.u32 v27, $0x7  }
0x9f: {  	v15 =	vnsel vm13, $0x10000, v38;
	v16 =	vadd.s32 v41, v16;
	v38 =	vand.u32 $0x7F, v63  }
0xa0: {  	v28 =	vld [tilespmem:$0x1368];
	v39 =	vsub.s32 v37, v0;
	v17 =	vor.u32 v43, v16;
	vm5 =	vgt.s32 v16, $0xFFFFFFFF  }
0xa1: {  	v50 =	vshrl.u32 v22, $0x7;
	v54 =	vand.u32 $0x7F, v22;
	v22 =	vand.u32 $0x7F, v57  }
0xa2: {  	v24 =	vshll.u32 v39, $0x10;
	v45 =	vshll.u32 v21, $0x7;
	vm4 =	vlt.s32 v17, $0x10000  }
0xa3: {  	v41 =	vld [tilespmem:$0x1168];
	v51 =	vsub.s32 v50, v0;
	v21 =	vand.u32 $0x7F, v53;
	v24 =	vadd.s32 v40, v24  }
0xa4: {  	v50 =	vshrl.u32 v42, $0x7;
	v18 =	vadd.s32 v45, v18;
	v48 =	vnsel vm4, $0x10000, v17  }
0xa5: {  	v40 =	vld [tilespmem:$0x11C8];
	v45 =	vshrl.u32 v28, $0x7;
	v49 =	vor.u32 v19, v18;
	v16 =	vnsel vm5, $0x10000, v48  }
0xa6: {  	v42 =	vld [tilespmem:$0x13D8];
	vm7 =	vgt.s32 v18, $0xFFFFFFFF;
	v18 =	vshll.u32 v51, $0x10;
	v46 =	vsub.s32 v45, v0  }
0xa7: {  	v51 =	vsub.s32 v50, v0;
	vm6 =	vlt.s32 v49, $0x10000;
	v18 =	vadd.s32 v52, v18  }
0xa8: {  	v47 =	vshll.u32 v41, $0x7;
	v17 =	vnsel vm6, $0x10000, v49;
	v19 =	vor.u32 v54, v18  }
0xa9: {  	vm8 =	vgt.s32 v18, $0xFFFFFFFF;
	v18 =	vshll.u32 v56, $0x10;
	v49 =	vand.u32 $0x7F, v28  }
0xaa: {  	v48 =	vld [tilespmem:$0x1388];
	v17 =	vnsel vm7, $0x10000, v17;
	vm9 =	vlt.s32 v19, $0x10000;
	v23 =	vadd.s32 v23, v18  }
0xab: {  	[tilespmem:$0x1498] =	vst v11;
	v45 =	vld [tilespmem:$0x11D8];
	vm7 =	vgt.s32 v24, $0xFFFFFFFF;
	v11 =	vshll.u32 v40, $0x7;
	v50 =	vshrl.u32 v42, $0x7  }
0xac: {  	[tilespmem:$0x14A8] =	vst v12;
	v12 =	vand.u32 $0x7F, v42;
	v19 =	vnsel vm9, $0x10000, v19;
	v58 =	vor.u32 v20, v23  }
0xad: {  	vm10 =	vgt.s32 v23, $0xFFFFFFFF;
	v20 =	vsub.s32 v59, v0;
	v23 =	vshll.u32 v62, $0x10  }
0xae: {  	v52 =	vld [tilespmem:$0x1188];
	v59 =	vshrl.u32 v30, $0x7;
	v18 =	vnsel vm8, $0x10000, v19;
	vm11 =	vlt.s32 v58, $0x10000  }
0xaf: {  	v20 =	vshll.u32 v20, $0x10;
	v23 =	vadd.s32 v25, v23;
	v25 =	vand.u32 $0x7F, v32  }
0xb0: {  	[tilespmem:$0x14B8] =	vst v13;
	v54 =	vld [tilespmem:$0x1198];
	v53 =	vshrl.u32 v48, $0x7;
	v61 =	vsub.s32 v59, v0;
	v13 =	vshll.u32 v45, $0x7  }
0xb1: {  	v56 =	vld [tilespmem:$0x13A8];
	v19 =	vnsel vm11, $0x10000, v58;
	v20 =	vadd.s32 v60, v20;
	v22 =	vor.u32 v22, v23  }
0xb2: {  	vm15 =	vgt.s32 v23, $0xFFFFFFFF;
	v44 =	vor.u32 v25, v24;
	v24 =	vshll.u32 v46, $0x10  }
0xb3: {  	v55 =	vshll.u32 v52, $0x7;
	v58 =	vand.u32 $0x7F, v48;
	v63 =	vshll.u32 v61, $0x10  }
0xb4: {  	v52 =	vsub.s32 v50, v0;
	v21 =	vor.u32 v21, v20;
	v19 =	vnsel vm10, $0x10000, v19  }
0xb5: {  	vm13 =	vgt.s32 v20, $0xFFFFFFFF;
	vm14 =	vlt.s32 v22, $0x10000;
	vm6 =	vlt.s32 v44, $0x10000  }
0xb6: {  	v24 =	vadd.s32 v47, v24;
	v28 =	vshll.u32 v54, $0x7;
	v32 =	vshrl.u32 v56, $0x7  }
0xb7: {  	v39 =	vand.u32 $0x7F, v56;
	vm12 =	vlt.s32 v21, $0x10000;
	v22 =	vnsel vm14, $0x10000, v22  }
0xb8: {  	v25 =	vor.u32 v49, v24;
	vm8 =	vgt.s32 v24, $0xFFFFFFFF;
	v24 =	vshll.u32 v51, $0x10  }
0xb9: {  	[tilespmem:$0x1428] =	vst v4;
	v62 =	vld [tilespmem:$0x11A8];
	v4 =	vadd.s32 v28, v63;
	v33 =	vnsel vm12, $0x10000, v21;
	v20 =	vnsel vm15, $0x10000, v22  }
0xba: {  	v22 =	vshll.u32 v35, $0x10;
	vm9 =	vlt.s32 v25, $0x10000;
	v24 =	vadd.s32 v29, v24  }
0xbb: {  	[tilespmem:$0x1448] =	vst v6;
	v48 =	vld [tilespmem:$0x13E8];
	v6 =	vor.u32 v31, v4;
	vm14 =	vgt.s32 v4, $0xFFFFFFFF;
	v35 =	vsub.s32 v32, v0  }
0xbc: {  	v21 =	vnsel vm13, $0x10000, v33;
	v22 =	vadd.s32 v36, v22;
	v25 =	vnsel vm9, $0x10000, v25  }
0xbd: {  	v26 =	vor.u32 v26, v24;
	vm10 =	vgt.s32 v24, $0xFFFFFFFF;
	v24 =	vsub.s32 v53, v0  }
0xbe: {  	vm15 =	vlt.s32 v6, $0x10000;
	v36 =	vshll.u32 v62, $0x7;
	v23 =	vor.u32 v38, v22  }
0xbf: {  	[tilespmem:$0x1408] =	vst v3;
	v49 =	vld [tilespmem:$0x13F8];
	vm5 =	vgt.s32 v22, $0xFFFFFFFF;
	v3 =	vnsel vm8, $0x10000, v25;
	vm11 =	vlt.s32 v26, $0x10000  }
0xc0: {  	[tilespmem:$0x1418] =	vst v2;
	v29 =	vld [tilespmem:$0x13B8];
	v24 =	vshll.u32 v24, $0x10;
	v6 =	vnsel vm15, $0x10000, v6;
	v54 =	vshrl.u32 v48, $0x7  }
0xc1: {  	[tilespmem:$0x1438] =	vst v5;
	v51 =	vld [tilespmem:$0x11E8];
	vm4 =	vlt.s32 v23, $0x10000;
	v2 =	vnsel vm11, $0x10000, v26;
	v57 =	vadd.s32 v55, v24  }
0xc2: {  	[tilespmem:$0x1458] =	vst v7;
	v33 =	vld [tilespmem:$0x11B8];
	v6 =	vnsel vm14, $0x10000, v6;
	v43 =	vnsel vm4, $0x10000, v23;
	v23 =	vnsel vm6, $0x10000, v44  }
0xc3: {  	[tilespmem:$0x1478] =	vst v8;
	v2 =	vnsel vm10, $0x10000, v2;
	v60 =	vor.u32 v58, v57;
	vm12 =	vgt.s32 v57, $0xFFFFFFFF  }
0xc4: {  	[tilespmem:$0x1468] =	vst v9;
	v38 =	vld [tilespmem:$0x13C8];
	v55 =	vshrl.u32 v49, $0x7;
	v62 =	vand.u32 $0x7F, v49;
	v22 =	vnsel vm5, $0x10000, v43  }
0xc5: {  	[tilespmem:$0x1488] =	vst v10;
	v23 =	vnsel vm7, $0x10000, v23;
	vm13 =	vlt.s32 v60, $0x10000;
	v37 =	vshrl.u32 v29, $0x7  }
0xc6: {  	v41 =	vand.u32 $0x7F, v29;
	v57 =	vsub.s32 v55, v0;
	[tilespmem:$0x1578] =	vst v2;
	v2 =	vshll.u32 v51, $0x7  }
0xc7: {  	[tilespmem:$0x14D8] =	vst v14;
	v5 =	vnsel vm13, $0x10000, v60;
	v7 =	vsub.s32 v37, v0;
	v9 =	vshll.u32 v33, $0x7  }
0xc8: {  	[tilespmem:$0x14C8] =	vst v15;
	v60 =	vand.u32 $0x7F, v48;
	v34 =	vnsel vm12, $0x10000, v5;
	v5 =	vshll.u32 v35, $0x10  }
0xc9: {  	[tilespmem:$0x14E8] =	vst v16;
	v7 =	vshll.u32 v7, $0x10;
	v44 =	vshrl.u32 v38, $0x7;
	v8 =	vand.u32 $0x7F, v38  }
0xca: {  	[tilespmem:$0x14F8] =	vst v17;
	v5 =	vadd.s32 v36, v5;
	v7 =	vadd.s32 v9, v7;
	v47 =	vsub.s32 v44, v0  }
0xcb: {  	[tilespmem:$0x1508] =	vst v18;
	v53 =	vld [tilespmem:$0x11F8];
	v10 =	vor.u32 v39, v5;
	vm5 =	vgt.s32 v5, $0xFFFFFFFF;
	v9 =	vor.u32 v41, v7  }
0xcc: {  	[tilespmem:$0x1518] =	vst v19;
	vm7 =	vgt.s32 v7, $0xFFFFFFFF;
	vm4 =	vlt.s32 v10, $0x10000;
	vm6 =	vlt.s32 v9, $0x10000  }
0xcd: {  	[tilespmem:$0x1538] =	vst v20;
	v43 =	vnsel vm4, $0x10000, v10;
	v46 =	vnsel vm6, $0x10000, v9;
	v9 =	vshll.u32 v47, $0x10  }
0xce: {  	[tilespmem:$0x1528] =	vst v21;
	v5 =	vnsel vm5, $0x10000, v43;
	v7 =	vnsel vm7, $0x10000, v46;
	v9 =	vadd.s32 v11, v9  }
0xcf: {  	[tilespmem:$0x1568] =	vst v3;
	v8 =	vor.u32 v8, v9;
	vm8 =	vgt.s32 v9, $0xFFFFFFFF;
	v9 =	vshll.u32 v52, $0x10  }
0xd0: {  	[tilespmem:$0x1598] =	vst v6;
	v11 =	vshll.u32 v53, $0x7;
	vm9 =	vlt.s32 v8, $0x10000;
	v9 =	vadd.s32 v13, v9  }
0xd1: {  	[tilespmem:$0x1548] =	vst v22;
	v13 =	vsub.s32 v54, v0;
	v8 =	vnsel vm9, $0x10000, v8;
	v3 =	vor.u32 v12, v9  }
0xd2: {  	[tilespmem:$0x1558] =	vst v23;
	v56 =	vshll.u32 v13, $0x10;
	v13 =	vshll.u32 v57, $0x10;
	vm10 =	vgt.s32 v9, $0xFFFFFFFF  }
0xd3: {  	[tilespmem:$0x1588] =	vst v34;
	v2 =	vadd.s32 v2, v56;
	v58 =	vadd.s32 v11, v13;
	vm11 =	vlt.s32 v3, $0x10000  }
0xd4: {  	[tilespmem:$0x15A8] =	vst v5;
	v59 =	vnsel vm8, $0x10000, v8;
	v3 =	vnsel vm11, $0x10000, v3;
	v61 =	vor.u32 v60, v2  }
0xd5: {  	[tilespmem:$0x15B8] =	vst v7;
	v63 =	vor.u32 v62, v58;
	vm13 =	vgt.s32 v2, $0xFFFFFFFF;
	vm12 =	vlt.s32 v61, $0x10000  }
0xd6: {  	[tilespmem:$0x15C8] =	vst v59;
	v3 =	vnsel vm10, $0x10000, v3;
	vm14 =	vlt.s32 v63, $0x10000;
	v2 =	vnsel vm12, $0x10000, v61  }
0xd7: {  	vm15 =	vgt.s32 v58, $0xFFFFFFFF;
	[tilespmem:$0x15D8] =	vst v3;
	v3 =	vnsel vm14, $0x10000, v63;
	v2 =	vnsel vm13, $0x10000, v2  }
0xd8: {  	[tilespmem:$0x15E8] =	vst v2;
	v2 =	vnsel vm15, $0x10000, v3  }
0xd9: {  	[tilespmem:$0x15F8] =	vst v2  }
0xda: {  	_ =	swait.ge [sflag:s22], $0x1000  }
0xdb: {  	[sflag:s22] =	ssyncset.done $0x0  }
0xdc: {  	[sflag:s22] =	ssyncadd.s32 $0xFFFFF000  }
0xdd: {  	[bflag:$0x0] =	sbarrier.arrive $0xFFFF  }
0xde: {  	[spmem:s1] =	stream.indirect.scatter.add.f32 [tilespmem:s16], [sflag:$0x3], $0x1, s24, s23, $0xb8;
	[tilespmem:$0x2808] =	vst v63  }
0xdf: {  	_ = 	snop  }
0xe0: {  	[spmem:s1] =	stream.indirect.scatter.add.f32 [tilespmem:s17], [sflag:$0x3], $0x1, s25, s23, $0xb8;
	[tilespmem:$0x2808] =	vst v63  }
0xe1: {  	_ = 	snop  }
0xe2: {  	[spmem:s1] =	stream.indirect.scatter.add.f32 [tilespmem:s18], [sflag:$0x3], $0x1, s26, s23, $0xb8;
	[tilespmem:$0x2808] =	vst v63  }
0xe3: {  	_ = 	snop  }
0xe4: {  	[spmem:s1] =	stream.indirect.scatter.add.f32 [tilespmem:s19], [sflag:$0x3], $0x1, s28, s23, $0xb8;
	[tilespmem:$0x2808] =	vst v63  }
0xe5: {  	_ =	swait.ge [sflag:s29], $0x80  }
0xe6: {  	[sflag:s29] =	ssyncset.done $0x0  }
0xe7: {  	[sflag:s29] =	ssyncadd.s32 $0xFFFFFF80  }
0xe8: {  	_ =	swait.ge [sflag:s29], $0x80  }
0xe9: {  	[sflag:s29] =	ssyncset.done $0x0  }
0xea: {  	[sflag:s29] =	ssyncadd.s32 $0xFFFFFF80  }
0xeb: {  	_ =	swait.ge [sflag:s29], $0x80  }
0xec: {  	[sflag:s29] =	ssyncset.done $0x0  }
0xed: {  	[sflag:s29] =	ssyncadd.s32 $0xFFFFFF80  }
0xee: {  	_ =	swait.ge [sflag:s29], $0x80  }
0xef: {  	s31 =	sadd.s32 $0x1, s31;
	[sflag:s29] =	ssyncset.done $0x0  }
0xf0: {  	s0 =	sor.u32 $0x1C04, s4;
	p0 =	sne.s32 s31, s13;
	[sflag:s29] =	ssyncadd.s32 $0xFFFFFF80  }
.Ltmp1:
0xf1: {  	s2 =	sshrl.u32 s11, $0x3;
	[bflag:$0x0] =	sbarrier.arrive $0xFFFF;
	(pc) =	sbr.rel @p0 .LBB2_1-.Ltmp1, $4  }
0xf2: {  	[hbm:s12], [sflag:s0] =	dma.local [spmem:s2], $0x200  }
0xf3: {  	_ =	swait.ge [sflag:s30], $0x200  }
0xf4: {  	[sflag:s30] =	ssyncset.done $0x0  }
0xf5: {  	[sflag:s30] =	ssyncadd.s32 $0xFFFFFE00  }
0xf6: {  	_ =	sfence.sel $0x180000  }
0xf7: {  	[bflag:$0x0] =	sbarrier.arrive $0xFFFF  }
0xf8: {  	_ =	strace $0x90000047  }
0xf9: {  	s0 =	stileid.u32;
	[bflag:$0x2] =	sbarrier.arrive $0xFFFF  }
0xfa: {  	p0 =	sne.s32 s0, $0x0;
	s0 =	rddreg [dreg:$0x5]  }
0xfb: {  	s0 =	sadd.s32 @!p0 $0x100000, s0  }
0xfc: {  	[sflag:s0] =	ssyncadd.tile.s32 @!p0 $0x1;
	_ =	shalt  }
.Lfunc_end2:
_tile_overlayer_lowered:
.L_overlay_start_2:
0xfd: {  	(tag) =	ssettag $0x2  }
0xfe: {  	s0 =	rddreg [dreg:$0x0];
	s2 =	stileid.u32  }
0xff: {  	s1 =	rddreg [dreg:$0x1];
	p0 =	sne.s32 s2, $0x0  }
0x100: {  	s3 =	rddreg [dreg:$0x2];
	[bflag:$0x3] =	sbarrier.arrive $0xFFFF;
	s2 =	simm.s32 @!p0 $0x1C04  }
0x101: {  	[timem:s3], [sflag:s2] =	dma.local @!p0 [hbm:s0], s1  }
0x102: {  	s0 =	simm.s32 @!p0 $0x4  }
0x103: {  	_ =	swait.ge @!p0 [sflag:s0], s1  }
0x104: {  	s1 =	ssub.s32 @!p0 $0x0, s1;
	[sflag:s0] =	ssyncset.done @!p0 $0x0  }
0x105: {  	[sflag:s0] =	ssyncadd.s32 @!p0 s1  }
0x106: {  	[bflag:$0x3] =	sbarrier.arrive $0xFFFF  }
0x107: {  	_ =	shalt  }

</sc_bundles>
